<compile_context>
chip_gen: v7x
topology: tpu7x:2x2x1
jax: 0.10.2.dev20260603
libtpu: 0.0.44.dev20260713+nightly
codegen_flags: <defaults>
</compile_context>

<pallas_src>
import jax
import jax.numpy as jnp
from jax import lax
from jax.experimental import pallas as pl
from jax.experimental.pallas import tpu as pltpu
from jax.experimental.pallas import tpu_sc as plsc

NC = 2
NS = 16
NW = NC * NS

B = 4096
L = 50
EMBED = 128
BPW = B // NW
NBUF = 6
DEPTH = 3


def _emb_body(src_idx, tgt_idx, src_tab, tgt_tab, src_out, tgt_out,
              idx_v, b0, b1, b2, b3, b4, b5, gsem, ssem):
    wid = lax.axis_index("s") * NC + lax.axis_index("c")
    bufs = (b0, b1, b2, b3, b4, b5)
    bat_base = wid * BPW

    for idx_hbm, tab_hbm, out_hbm in (
        (src_idx, src_tab, src_out),
        (tgt_idx, tgt_tab, tgt_out),
    ):
        pltpu.sync_copy(idx_hbm.at[:, pl.ds(bat_base, BPW)], idx_v)

        def gstart(l, b):
            pltpu.async_copy(tab_hbm.at[idx_v.at[l]], bufs[b], gsem)

        def body(l, b, do_swait, do_gstart):
            pltpu.make_async_copy(
                tab_hbm.at[idx_v.at[l]], bufs[b], gsem).wait()
            dst = out_hbm.at[l, pl.ds(bat_base, BPW)]
            pltpu.async_copy(bufs[b], dst, ssem)
            if do_swait:
                pltpu.make_async_copy(bufs[b], dst, ssem).wait()
            if do_gstart:
                gstart(l + DEPTH, (b + DEPTH) % NBUF)

        for l in range(DEPTH):
            gstart(l, l % NBUF)

        for l in range(DEPTH):
            body(l, l % NBUF, do_swait=False, do_gstart=True)

        steady = ((L - 2 * DEPTH + 1) // NBUF) * NBUF

        @pl.loop(DEPTH, DEPTH + steady, step=NBUF)
        def _(g):
            for off in range(NBUF):
                body(g + off, (DEPTH + off) % NBUF,
                     do_swait=True, do_gstart=True)

        for l in range(DEPTH + steady, L):
            body(l, l % NBUF, do_swait=True, do_gstart=(l + DEPTH < L))

        for b in range(DEPTH):
            pltpu.make_async_copy(
                bufs[b], out_hbm.at[0, pl.ds(bat_base, BPW)], ssem).wait()


@jax.jit
def _emb(src_idx, tgt_idx, src_tab, tgt_tab):
    mesh = plsc.VectorSubcoreMesh(
        core_axis_name="c", subcore_axis_name="s",
        num_cores=NC, num_subcores=NS)
    f = pl.kernel(
        _emb_body,
        out_type=[
            jax.ShapeDtypeStruct((L, B, EMBED), jnp.float32),
            jax.ShapeDtypeStruct((L, B, EMBED), jnp.float32),
        ],
        mesh=mesh,
        scratch_types=[pltpu.VMEM((L, BPW), jnp.int32)]
        + [pltpu.VMEM((BPW, EMBED), jnp.float32) for _ in range(NBUF)]
        + [pltpu.SemaphoreType.DMA, pltpu.SemaphoreType.DMA],
        name="emb_lookup",
    )
    src_out, tgt_out = f(src_idx, tgt_idx, src_tab, tgt_tab)
    return src_out, tgt_out


def kernel(src_indices, tgt_indices, src_table, tgt_table):
    src_out, tgt_out = _emb(
        src_indices.T, tgt_indices.T, src_table, tgt_table)
    return (jnp.transpose(src_out, (1, 0, 2)),
            jnp.transpose(tgt_out, (1, 0, 2)))

# --- scband reference (transcript-rebuilt; emitter-appended) ---
"""Pipeline reference for scband-model-embeddings-55413668053547 (READ-ONLY COPY).

The authoritative reference and input builder live on the scoring server;
editing this copy changes nothing except your own understanding.
"""

import jax, jax.numpy as jnp
import numpy as np

SRC_VOCAB = 100000
TGT_VOCAB = 100000
EMBED = 128
B = 4096
L = 50
SRC_PAD = 0
TGT_PAD = 0


def setup_inputs(seed: int = 0) -> dict:
    key = jax.random.key(seed)
    k1, k2, k3, k4 = jax.random.split(key, 4)
    src_indices = jax.random.randint(k1, (B, L), 0, SRC_VOCAB, dtype=jnp.int32)
    tgt_indices = jax.random.randint(k2, (B, L), 0, TGT_VOCAB, dtype=jnp.int32)
    src_table = jax.random.normal(k3, (SRC_VOCAB, EMBED), dtype=jnp.float32)
    tgt_table = jax.random.normal(k4, (TGT_VOCAB, EMBED), dtype=jnp.float32)
    # padding_idx rows are zero, matching nn.Embedding(padding_idx=...)
    src_table = src_table.at[SRC_PAD].set(0.0)
    tgt_table = tgt_table.at[TGT_PAD].set(0.0)
    return {
        "src_indices": src_indices,
        "tgt_indices": tgt_indices,
        "src_table": src_table,
        "tgt_table": tgt_table,
    }


def reference(src_indices, tgt_indices, src_table, tgt_table):
    # ModelEmbeddings: self.source(src_indices), self.target(tgt_indices)
    src_emb = jnp.take(src_table, src_indices, axis=0)
    tgt_emb = jnp.take(tgt_table, tgt_indices, axis=0)
    return src_emb, tgt_emb

if __name__ == "__main__":
    import jax
    _d = setup_inputs()
    print(jax.jit(kernel)(*tuple(_d.values())))

</pallas_src>

<mosaic_0001>
#map = affine_map<(d0, d1) -> (0, 0)>
#map1 = affine_map<(d0, d1) -> (0, 0, 0)>
module attributes {stable_mosaic.version = 14 : i64} {
  func.func @emb_lookup(%arg0: i32, %arg1: i32, %arg2: memref<50x4096xi32, #tpu.memory_space<hbm>>, %arg3: memref<50x4096xi32, #tpu.memory_space<hbm>>, %arg4: memref<100000x128xf32, #tpu.memory_space<hbm>>, %arg5: memref<100000x128xf32, #tpu.memory_space<hbm>>, %arg6: memref<50x4096x128xf32, #tpu.memory_space<hbm>>, %arg7: memref<50x4096x128xf32, #tpu.memory_space<hbm>>, %arg8: memref<50x128xi32, #tpu.memory_space<vmem>>, %arg9: memref<128x128xf32, #tpu.memory_space<vmem>>, %arg10: memref<128x128xf32, #tpu.memory_space<vmem>>, %arg11: memref<128x128xf32, #tpu.memory_space<vmem>>, %arg12: memref<128x128xf32, #tpu.memory_space<vmem>>, %arg13: memref<128x128xf32, #tpu.memory_space<vmem>>, %arg14: memref<128x128xf32, #tpu.memory_space<vmem>>, %arg15: memref<!tpu.dma_semaphore, #tpu.memory_space<semaphore_mem>>, %arg16: memref<!tpu.dma_semaphore, #tpu.memory_space<semaphore_mem>>) attributes {dimension_semantics = [#tpu.dimension_semantics<core_parallel>, #tpu.dimension_semantics<subcore_parallel>], iteration_bounds = array<i64: 2, 16>, scalar_prefetch = 0 : i64, scratch_operands = 9 : i64, tpu.core_type = #tpu.core_type<sc_vector_subcore>, window_params = [{transform_indices = #map}, {transform_indices = #map}, {transform_indices = #map}, {transform_indices = #map}, {transform_indices = #map1}, {transform_indices = #map1}]} {
    %mul3A = arith.constant 2 : i32
    %mul3A_0 = arith.muli %arg1, %mul3A : i32
    %add3A = arith.addi %mul3A_0, %arg0 : i32
    %mul3A_1 = arith.constant 128 : i32
    %mul3A_2 = arith.muli %add3A, %mul3A_1 : i32
    "tpu.region"() ({
      %run_scoped3A = tpu.sem_alloc : memref<!tpu.dma_semaphore, #tpu.memory_space<semaphore_mem>>
      %dma_start3A_458 = arith.constant 0 : i32
      %dma_start3A_459 = tpu.memref_slice %arg2[%dma_start3A_458, %mul3A_2] : memref<50x4096xi32, #tpu.memory_space<hbm>> -> memref<50x128xi32, #tpu.memory_space<hbm>>
      %dma_start3A_460 = arith.constant 0 : i32
      %dma_start3A_461 = tpu.memref_slice %arg2[%dma_start3A_460, %mul3A_2] : memref<50x4096xi32, #tpu.memory_space<hbm>> -> memref<50x128xi32, #tpu.memory_space<hbm>>
      tpu.enqueue_dma source(%dma_start3A_461 : memref<50x128xi32, #tpu.memory_space<hbm>>) target(%arg8 : memref<50x128xi32, #tpu.memory_space<vmem>>) target_semaphore(%run_scoped3A : memref<!tpu.dma_semaphore, #tpu.memory_space<semaphore_mem>>)
      %dma_wait3A_462 = arith.constant 0 : i32
      %dma_wait3A_463 = tpu.memref_slice %arg2[%dma_wait3A_462, %mul3A_2] : memref<50x4096xi32, #tpu.memory_space<hbm>> -> memref<50x128xi32, #tpu.memory_space<hbm>>
      %dma_wait3A_464 = arith.constant 0 : i32
      %dma_wait3A_465 = tpu.memref_slice %arg2[%dma_wait3A_464, %mul3A_2] : memref<50x4096xi32, #tpu.memory_space<hbm>> -> memref<50x128xi32, #tpu.memory_space<hbm>>
      tpu.wait_dma2 semaphore(%run_scoped3A : memref<!tpu.dma_semaphore, #tpu.memory_space<semaphore_mem>>) src(%dma_wait3A_465 : memref<50x128xi32, #tpu.memory_space<hbm>>) dst(%arg8 : memref<50x128xi32, #tpu.memory_space<vmem>>)
      tpu.yield
    }) : () -> ()
    %dma_start3A = arith.constant 0 : i32
    %dma_start3A_3 = arith.constant 0 : i32
    %dma_start3A_4 = tpu.memref_slice %arg8[%dma_start3A, %dma_start3A_3] : memref<50x128xi32, #tpu.memory_space<vmem>> -> memref<1x128xi32, #tpu.memory_space<vmem>>
    %dma_start3A_5 = tpu.memref_squeeze %dma_start3A_4 : memref<1x128xi32, #tpu.memory_space<vmem>> -> memref<128xi32, #tpu.memory_space<vmem>>
    %dma_start3A_6 = arith.constant 0 : i32
    %dma_start3A_7 = arith.constant 0 : i32
    %dma_start3A_8 = tpu.memref_slice %arg4[%dma_start3A_6, %dma_start3A_7] : memref<100000x128xf32, #tpu.memory_space<hbm>> -> memref<100000x128xf32, #tpu.memory_space<hbm>>
    tpu.enqueue_indirect_dma source(%dma_start3A_8 : memref<100000x128xf32, #tpu.memory_space<hbm>>) target(%arg9 : memref<128x128xf32, #tpu.memory_space<vmem>>) offsets(%dma_start3A_5 : memref<128xi32, #tpu.memory_space<vmem>>) semaphore(%arg15 : memref<!tpu.dma_semaphore, #tpu.memory_space<semaphore_mem>>)
    %dma_start3A_9 = arith.constant 1 : i32
    %dma_start3A_10 = arith.constant 0 : i32
    %dma_start3A_11 = tpu.memref_slice %arg8[%dma_start3A_9, %dma_start3A_10] : memref<50x128xi32, #tpu.memory_space<vmem>> -> memref<1x128xi32, #tpu.memory_space<vmem>>
    %dma_start3A_12 = tpu.memref_squeeze %dma_start3A_11 : memref<1x128xi32, #tpu.memory_space<vmem>> -> memref<128xi32, #tpu.memory_space<vmem>>
    %dma_start3A_13 = arith.constant 0 : i32
    %dma_start3A_14 = arith.constant 0 : i32
    %dma_start3A_15 = tpu.memref_slice %arg4[%dma_start3A_13, %dma_start3A_14] : memref<100000x128xf32, #tpu.memory_space<hbm>> -> memref<100000x128xf32, #tpu.memory_space<hbm>>
    tpu.enqueue_indirect_dma source(%dma_start3A_15 : memref<100000x128xf32, #tpu.memory_space<hbm>>) target(%arg10 : memref<128x128xf32, #tpu.memory_space<vmem>>) offsets(%dma_start3A_12 : memref<128xi32, #tpu.memory_space<vmem>>) semaphore(%arg15 : memref<!tpu.dma_semaphore, #tpu.memory_space<semaphore_mem>>)
    %dma_start3A_16 = arith.constant 2 : i32
    %dma_start3A_17 = arith.constant 0 : i32
    %dma_start3A_18 = tpu.memref_slice %arg8[%dma_start3A_16, %dma_start3A_17] : memref<50x128xi32, #tpu.memory_space<vmem>> -> memref<1x128xi32, #tpu.memory_space<vmem>>
    %dma_start3A_19 = tpu.memref_squeeze %dma_start3A_18 : memref<1x128xi32, #tpu.memory_space<vmem>> -> memref<128xi32, #tpu.memory_space<vmem>>
    %dma_start3A_20 = arith.constant 0 : i32
    %dma_start3A_21 = arith.constant 0 : i32
    %dma_start3A_22 = tpu.memref_slice %arg4[%dma_start3A_20, %dma_start3A_21] : memref<100000x128xf32, #tpu.memory_space<hbm>> -> memref<100000x128xf32, #tpu.memory_space<hbm>>
    tpu.enqueue_indirect_dma source(%dma_start3A_22 : memref<100000x128xf32, #tpu.memory_space<hbm>>) target(%arg11 : memref<128x128xf32, #tpu.memory_space<vmem>>) offsets(%dma_start3A_19 : memref<128xi32, #tpu.memory_space<vmem>>) semaphore(%arg15 : memref<!tpu.dma_semaphore, #tpu.memory_space<semaphore_mem>>)
    %dma_wait3A = arith.constant 0 : i32
    %dma_wait3A_23 = arith.constant 0 : i32
    %dma_wait3A_24 = tpu.memref_slice %arg8[%dma_wait3A, %dma_wait3A_23] : memref<50x128xi32, #tpu.memory_space<vmem>> -> memref<1x128xi32, #tpu.memory_space<vmem>>
    %dma_wait3A_25 = tpu.memref_squeeze %dma_wait3A_24 : memref<1x128xi32, #tpu.memory_space<vmem>> -> memref<128xi32, #tpu.memory_space<vmem>>
    %dma_wait3A_26 = arith.constant 0 : i32
    %dma_wait3A_27 = arith.constant 0 : i32
    %dma_wait3A_28 = tpu.memref_slice %arg4[%dma_wait3A_26, %dma_wait3A_27] : memref<100000x128xf32, #tpu.memory_space<hbm>> -> memref<100000x128xf32, #tpu.memory_space<hbm>>
    tpu.wait_indirect_dma semaphore(%arg15 : memref<!tpu.dma_semaphore, #tpu.memory_space<semaphore_mem>>) src(%dma_wait3A_28 : memref<100000x128xf32, #tpu.memory_space<hbm>>) dst(%arg9 : memref<128x128xf32, #tpu.memory_space<vmem>>)
    %dma_start3A_29 = arith.constant 0 : i32
    %dma_start3A_30 = arith.constant 0 : i32
    %dma_start3A_31 = tpu.memref_slice %arg6[%dma_start3A_29, %mul3A_2, %dma_start3A_30] : memref<50x4096x128xf32, #tpu.memory_space<hbm>> -> memref<1x128x128xf32, #tpu.memory_space<hbm>>
    %dma_start3A_32 = tpu.memref_squeeze %dma_start3A_31 : memref<1x128x128xf32, #tpu.memory_space<hbm>> -> memref<128x128xf32, #tpu.memory_space<hbm>>
    %dma_start3A_33 = arith.constant 0 : i32
    %dma_start3A_34 = tpu.memref_slice %arg6[%dma_start3A_29, %mul3A_2, %dma_start3A_33] : memref<50x4096x128xf32, #tpu.memory_space<hbm>> -> memref<1x128x128xf32, #tpu.memory_space<hbm>>
    %dma_start3A_35 = tpu.memref_squeeze %dma_start3A_34 : memref<1x128x128xf32, #tpu.memory_space<hbm>> -> memref<128x128xf32, #tpu.memory_space<hbm>>
    tpu.enqueue_dma source(%arg9 : memref<128x128xf32, #tpu.memory_space<vmem>>) target(%dma_start3A_35 : memref<128x128xf32, #tpu.memory_space<hbm>>) target_semaphore(%arg16 : memref<!tpu.dma_semaphore, #tpu.memory_space<semaphore_mem>>)
    %dma_start3A_36 = arith.constant 3 : i32
    %dma_start3A_37 = arith.constant 0 : i32
    %dma_start3A_38 = tpu.memref_slice %arg8[%dma_start3A_36, %dma_start3A_37] : memref<50x128xi32, #tpu.memory_space<vmem>> -> memref<1x128xi32, #tpu.memory_space<vmem>>
    %dma_start3A_39 = tpu.memref_squeeze %dma_start3A_38 : memref<1x128xi32, #tpu.memory_space<vmem>> -> memref<128xi32, #tpu.memory_space<vmem>>
    %dma_start3A_40 = arith.constant 0 : i32
    %dma_start3A_41 = arith.constant 0 : i32
    %dma_start3A_42 = tpu.memref_slice %arg4[%dma_start3A_40, %dma_start3A_41] : memref<100000x128xf32, #tpu.memory_space<hbm>> -> memref<100000x128xf32, #tpu.memory_space<hbm>>
    tpu.enqueue_indirect_dma source(%dma_start3A_42 : memref<100000x128xf32, #tpu.memory_space<hbm>>) target(%arg12 : memref<128x128xf32, #tpu.memory_space<vmem>>) offsets(%dma_start3A_39 : memref<128xi32, #tpu.memory_space<vmem>>) semaphore(%arg15 : memref<!tpu.dma_semaphore, #tpu.memory_space<semaphore_mem>>)
    %dma_wait3A_43 = arith.constant 1 : i32
    %dma_wait3A_44 = arith.constant 0 : i32
    %dma_wait3A_45 = tpu.memref_slice %arg8[%dma_wait3A_43, %dma_wait3A_44] : memref<50x128xi32, #tpu.memory_space<vmem>> -> memref<1x128xi32, #tpu.memory_space<vmem>>
    %dma_wait3A_46 = tpu.memref_squeeze %dma_wait3A_45 : memref<1x128xi32, #tpu.memory_space<vmem>> -> memref<128xi32, #tpu.memory_space<vmem>>
    %dma_wait3A_47 = arith.constant 0 : i32
    %dma_wait3A_48 = arith.constant 0 : i32
    %dma_wait3A_49 = tpu.memref_slice %arg4[%dma_wait3A_47, %dma_wait3A_48] : memref<100000x128xf32, #tpu.memory_space<hbm>> -> memref<100000x128xf32, #tpu.memory_space<hbm>>
    tpu.wait_indirect_dma semaphore(%arg15 : memref<!tpu.dma_semaphore, #tpu.memory_space<semaphore_mem>>) src(%dma_wait3A_49 : memref<100000x128xf32, #tpu.memory_space<hbm>>) dst(%arg10 : memref<128x128xf32, #tpu.memory_space<vmem>>)
    %dma_start3A_50 = arith.constant 1 : i32
    %dma_start3A_51 = arith.constant 0 : i32
    %dma_start3A_52 = tpu.memref_slice %arg6[%dma_start3A_50, %mul3A_2, %dma_start3A_51] : memref<50x4096x128xf32, #tpu.memory_space<hbm>> -> memref<1x128x128xf32, #tpu.memory_space<hbm>>
    %dma_start3A_53 = tpu.memref_squeeze %dma_start3A_52 : memref<1x128x128xf32, #tpu.memory_space<hbm>> -> memref<128x128xf32, #tpu.memory_space<hbm>>
    %dma_start3A_54 = arith.constant 0 : i32
    %dma_start3A_55 = tpu.memref_slice %arg6[%dma_start3A_50, %mul3A_2, %dma_start3A_54] : memref<50x4096x128xf32, #tpu.memory_space<hbm>> -> memref<1x128x128xf32, #tpu.memory_space<hbm>>
    %dma_start3A_56 = tpu.memref_squeeze %dma_start3A_55 : memref<1x128x128xf32, #tpu.memory_space<hbm>> -> memref<128x128xf32, #tpu.memory_space<hbm>>
    tpu.enqueue_dma source(%arg10 : memref<128x128xf32, #tpu.memory_space<vmem>>) target(%dma_start3A_56 : memref<128x128xf32, #tpu.memory_space<hbm>>) target_semaphore(%arg16 : memref<!tpu.dma_semaphore, #tpu.memory_space<semaphore_mem>>)
    %dma_start3A_57 = arith.constant 4 : i32
    %dma_start3A_58 = arith.constant 0 : i32
    %dma_start3A_59 = tpu.memref_slice %arg8[%dma_start3A_57, %dma_start3A_58] : memref<50x128xi32, #tpu.memory_space<vmem>> -> memref<1x128xi32, #tpu.memory_space<vmem>>
    %dma_start3A_60 = tpu.memref_squeeze %dma_start3A_59 : memref<1x128xi32, #tpu.memory_space<vmem>> -> memref<128xi32, #tpu.memory_space<vmem>>
    %dma_start3A_61 = arith.constant 0 : i32
    %dma_start3A_62 = arith.constant 0 : i32
    %dma_start3A_63 = tpu.memref_slice %arg4[%dma_start3A_61, %dma_start3A_62] : memref<100000x128xf32, #tpu.memory_space<hbm>> -> memref<100000x128xf32, #tpu.memory_space<hbm>>
    tpu.enqueue_indirect_dma source(%dma_start3A_63 : memref<100000x128xf32, #tpu.memory_space<hbm>>) target(%arg13 : memref<128x128xf32, #tpu.memory_space<vmem>>) offsets(%dma_start3A_60 : memref<128xi32, #tpu.memory_space<vmem>>) semaphore(%arg15 : memref<!tpu.dma_semaphore, #tpu.memory_space<semaphore_mem>>)
    %dma_wait3A_64 = arith.constant 2 : i32
    %dma_wait3A_65 = arith.constant 0 : i32
    %dma_wait3A_66 = tpu.memref_slice %arg8[%dma_wait3A_64, %dma_wait3A_65] : memref<50x128xi32, #tpu.memory_space<vmem>> -> memref<1x128xi32, #tpu.memory_space<vmem>>
    %dma_wait3A_67 = tpu.memref_squeeze %dma_wait3A_66 : memref<1x128xi32, #tpu.memory_space<vmem>> -> memref<128xi32, #tpu.memory_space<vmem>>
    %dma_wait3A_68 = arith.constant 0 : i32
    %dma_wait3A_69 = arith.constant 0 : i32
    %dma_wait3A_70 = tpu.memref_slice %arg4[%dma_wait3A_68, %dma_wait3A_69] : memref<100000x128xf32, #tpu.memory_space<hbm>> -> memref<100000x128xf32, #tpu.memory_space<hbm>>
    tpu.wait_indirect_dma semaphore(%arg15 : memref<!tpu.dma_semaphore, #tpu.memory_space<semaphore_mem>>) src(%dma_wait3A_70 : memref<100000x128xf32, #tpu.memory_space<hbm>>) dst(%arg11 : memref<128x128xf32, #tpu.memory_space<vmem>>)
    %dma_start3A_71 = arith.constant 2 : i32
    %dma_start3A_72 = arith.constant 0 : i32
    %dma_start3A_73 = tpu.memref_slice %arg6[%dma_start3A_71, %mul3A_2, %dma_start3A_72] : memref<50x4096x128xf32, #tpu.memory_space<hbm>> -> memref<1x128x128xf32, #tpu.memory_space<hbm>>
    %dma_start3A_74 = tpu.memref_squeeze %dma_start3A_73 : memref<1x128x128xf32, #tpu.memory_space<hbm>> -> memref<128x128xf32, #tpu.memory_space<hbm>>
    %dma_start3A_75 = arith.constant 0 : i32
    %dma_start3A_76 = tpu.memref_slice %arg6[%dma_start3A_71, %mul3A_2, %dma_start3A_75] : memref<50x4096x128xf32, #tpu.memory_space<hbm>> -> memref<1x128x128xf32, #tpu.memory_space<hbm>>
    %dma_start3A_77 = tpu.memref_squeeze %dma_start3A_76 : memref<1x128x128xf32, #tpu.memory_space<hbm>> -> memref<128x128xf32, #tpu.memory_space<hbm>>
    tpu.enqueue_dma source(%arg11 : memref<128x128xf32, #tpu.memory_space<vmem>>) target(%dma_start3A_77 : memref<128x128xf32, #tpu.memory_space<hbm>>) target_semaphore(%arg16 : memref<!tpu.dma_semaphore, #tpu.memory_space<semaphore_mem>>)
    %dma_start3A_78 = arith.constant 5 : i32
    %dma_start3A_79 = arith.constant 0 : i32
    %dma_start3A_80 = tpu.memref_slice %arg8[%dma_start3A_78, %dma_start3A_79] : memref<50x128xi32, #tpu.memory_space<vmem>> -> memref<1x128xi32, #tpu.memory_space<vmem>>
    %dma_start3A_81 = tpu.memref_squeeze %dma_start3A_80 : memref<1x128xi32, #tpu.memory_space<vmem>> -> memref<128xi32, #tpu.memory_space<vmem>>
    %dma_start3A_82 = arith.constant 0 : i32
    %dma_start3A_83 = arith.constant 0 : i32
    %dma_start3A_84 = tpu.memref_slice %arg4[%dma_start3A_82, %dma_start3A_83] : memref<100000x128xf32, #tpu.memory_space<hbm>> -> memref<100000x128xf32, #tpu.memory_space<hbm>>
    tpu.enqueue_indirect_dma source(%dma_start3A_84 : memref<100000x128xf32, #tpu.memory_space<hbm>>) target(%arg14 : memref<128x128xf32, #tpu.memory_space<vmem>>) offsets(%dma_start3A_81 : memref<128xi32, #tpu.memory_space<vmem>>) semaphore(%arg15 : memref<!tpu.dma_semaphore, #tpu.memory_space<semaphore_mem>>)
    %scan3A = arith.constant 0 : i32
    %scan3A_85 = arith.constant 7 : i32
    %scan3A_86 = arith.addi %scan3A, %scan3A_85 : i32
    %scan3A_87 = arith.constant 1 : i32
    scf.for %scan3A_458 = %scan3A to %scan3A_86 step %scan3A_87  : i32 {
      %mul3A_459 = arith.constant 6 : i32
      %mul3A_460 = arith.muli %scan3A_458, %mul3A_459 : i32
      %add3A_461 = arith.constant 3 : i32
      %add3A_462 = arith.addi %add3A_461, %mul3A_460 : i32
      %add3A_463 = arith.constant 0 : i32
      %add3A_464 = arith.addi %add3A_462, %add3A_463 : i32
      %dma_wait3A_465 = arith.constant 0 : i32
      %dma_wait3A_466 = tpu.memref_slice %arg8[%add3A_464, %dma_wait3A_465] : memref<50x128xi32, #tpu.memory_space<vmem>> -> memref<1x128xi32, #tpu.memory_space<vmem>>
      %dma_wait3A_467 = tpu.memref_squeeze %dma_wait3A_466 : memref<1x128xi32, #tpu.memory_space<vmem>> -> memref<128xi32, #tpu.memory_space<vmem>>
      %dma_wait3A_468 = arith.constant 0 : i32
      %dma_wait3A_469 = arith.constant 0 : i32
      %dma_wait3A_470 = tpu.memref_slice %arg4[%dma_wait3A_468, %dma_wait3A_469] : memref<100000x128xf32, #tpu.memory_space<hbm>> -> memref<100000x128xf32, #tpu.memory_space<hbm>>
      tpu.wait_indirect_dma semaphore(%arg15 : memref<!tpu.dma_semaphore, #tpu.memory_space<semaphore_mem>>) src(%dma_wait3A_470 : memref<100000x128xf32, #tpu.memory_space<hbm>>) dst(%arg12 : memref<128x128xf32, #tpu.memory_space<vmem>>)
      %dma_start3A_471 = arith.constant 0 : i32
      %dma_start3A_472 = tpu.memref_slice %arg6[%add3A_464, %mul3A_2, %dma_start3A_471] : memref<50x4096x128xf32, #tpu.memory_space<hbm>> -> memref<1x128x128xf32, #tpu.memory_space<hbm>>
      %dma_start3A_473 = tpu.memref_squeeze %dma_start3A_472 : memref<1x128x128xf32, #tpu.memory_space<hbm>> -> memref<128x128xf32, #tpu.memory_space<hbm>>
      %dma_start3A_474 = arith.constant 0 : i32
      %dma_start3A_475 = tpu.memref_slice %arg6[%add3A_464, %mul3A_2, %dma_start3A_474] : memref<50x4096x128xf32, #tpu.memory_space<hbm>> -> memref<1x128x128xf32, #tpu.memory_space<hbm>>
      %dma_start3A_476 = tpu.memref_squeeze %dma_start3A_475 : memref<1x128x128xf32, #tpu.memory_space<hbm>> -> memref<128x128xf32, #tpu.memory_space<hbm>>
      tpu.enqueue_dma source(%arg12 : memref<128x128xf32, #tpu.memory_space<vmem>>) target(%dma_start3A_476 : memref<128x128xf32, #tpu.memory_space<hbm>>) target_semaphore(%arg16 : memref<!tpu.dma_semaphore, #tpu.memory_space<semaphore_mem>>)
      %dma_wait3A_477 = arith.constant 0 : i32
      %dma_wait3A_478 = tpu.memref_slice %arg6[%add3A_464, %mul3A_2, %dma_wait3A_477] : memref<50x4096x128xf32, #tpu.memory_space<hbm>> -> memref<1x128x128xf32, #tpu.memory_space<hbm>>
      %dma_wait3A_479 = tpu.memref_squeeze %dma_wait3A_478 : memref<1x128x128xf32, #tpu.memory_space<hbm>> -> memref<128x128xf32, #tpu.memory_space<hbm>>
      %dma_wait3A_480 = arith.constant 0 : i32
      %dma_wait3A_481 = tpu.memref_slice %arg6[%add3A_464, %mul3A_2, %dma_wait3A_480] : memref<50x4096x128xf32, #tpu.memory_space<hbm>> -> memref<1x128x128xf32, #tpu.memory_space<hbm>>
      %dma_wait3A_482 = tpu.memref_squeeze %dma_wait3A_481 : memref<1x128x128xf32, #tpu.memory_space<hbm>> -> memref<128x128xf32, #tpu.memory_space<hbm>>
      tpu.wait_dma2 semaphore(%arg16 : memref<!tpu.dma_semaphore, #tpu.memory_space<semaphore_mem>>) src(%arg12 : memref<128x128xf32, #tpu.memory_space<vmem>>) dst(%dma_wait3A_482 : memref<128x128xf32, #tpu.memory_space<hbm>>)
      %add3A_483 = arith.constant 3 : i32
      %add3A_484 = arith.addi %add3A_464, %add3A_483 : i32
      %dma_start3A_485 = arith.constant 0 : i32
      %dma_start3A_486 = tpu.memref_slice %arg8[%add3A_484, %dma_start3A_485] : memref<50x128xi32, #tpu.memory_space<vmem>> -> memref<1x128xi32, #tpu.memory_space<vmem>>
      %dma_start3A_487 = tpu.memref_squeeze %dma_start3A_486 : memref<1x128xi32, #tpu.memory_space<vmem>> -> memref<128xi32, #tpu.memory_space<vmem>>
      %dma_start3A_488 = arith.constant 0 : i32
      %dma_start3A_489 = arith.constant 0 : i32
      %dma_start3A_490 = tpu.memref_slice %arg4[%dma_start3A_488, %dma_start3A_489] : memref<100000x128xf32, #tpu.memory_space<hbm>> -> memref<100000x128xf32, #tpu.memory_space<hbm>>
      tpu.enqueue_indirect_dma source(%dma_start3A_490 : memref<100000x128xf32, #tpu.memory_space<hbm>>) target(%arg9 : memref<128x128xf32, #tpu.memory_space<vmem>>) offsets(%dma_start3A_487 : memref<128xi32, #tpu.memory_space<vmem>>) semaphore(%arg15 : memref<!tpu.dma_semaphore, #tpu.memory_space<semaphore_mem>>)
      %add3A_491 = arith.constant 1 : i32
      %add3A_492 = arith.addi %add3A_462, %add3A_491 : i32
      %dma_wait3A_493 = arith.constant 0 : i32
      %dma_wait3A_494 = tpu.memref_slice %arg8[%add3A_492, %dma_wait3A_493] : memref<50x128xi32, #tpu.memory_space<vmem>> -> memref<1x128xi32, #tpu.memory_space<vmem>>
      %dma_wait3A_495 = tpu.memref_squeeze %dma_wait3A_494 : memref<1x128xi32, #tpu.memory_space<vmem>> -> memref<128xi32, #tpu.memory_space<vmem>>
      %dma_wait3A_496 = arith.constant 0 : i32
      %dma_wait3A_497 = arith.constant 0 : i32
      %dma_wait3A_498 = tpu.memref_slice %arg4[%dma_wait3A_496, %dma_wait3A_497] : memref<100000x128xf32, #tpu.memory_space<hbm>> -> memref<100000x128xf32, #tpu.memory_space<hbm>>
      tpu.wait_indirect_dma semaphore(%arg15 : memref<!tpu.dma_semaphore, #tpu.memory_space<semaphore_mem>>) src(%dma_wait3A_498 : memref<100000x128xf32, #tpu.memory_space<hbm>>) dst(%arg13 : memref<128x128xf32, #tpu.memory_space<vmem>>)
      %dma_start3A_499 = arith.constant 0 : i32
      %dma_start3A_500 = tpu.memref_slice %arg6[%add3A_492, %mul3A_2, %dma_start3A_499] : memref<50x4096x128xf32, #tpu.memory_space<hbm>> -> memref<1x128x128xf32, #tpu.memory_space<hbm>>
      %dma_start3A_501 = tpu.memref_squeeze %dma_start3A_500 : memref<1x128x128xf32, #tpu.memory_space<hbm>> -> memref<128x128xf32, #tpu.memory_space<hbm>>
      %dma_start3A_502 = arith.constant 0 : i32
      %dma_start3A_503 = tpu.memref_slice %arg6[%add3A_492, %mul3A_2, %dma_start3A_502] : memref<50x4096x128xf32, #tpu.memory_space<hbm>> -> memref<1x128x128xf32, #tpu.memory_space<hbm>>
      %dma_start3A_504 = tpu.memref_squeeze %dma_start3A_503 : memref<1x128x128xf32, #tpu.memory_space<hbm>> -> memref<128x128xf32, #tpu.memory_space<hbm>>
      tpu.enqueue_dma source(%arg13 : memref<128x128xf32, #tpu.memory_space<vmem>>) target(%dma_start3A_504 : memref<128x128xf32, #tpu.memory_space<hbm>>) target_semaphore(%arg16 : memref<!tpu.dma_semaphore, #tpu.memory_space<semaphore_mem>>)
      %dma_wait3A_505 = arith.constant 0 : i32
      %dma_wait3A_506 = tpu.memref_slice %arg6[%add3A_492, %mul3A_2, %dma_wait3A_505] : memref<50x4096x128xf32, #tpu.memory_space<hbm>> -> memref<1x128x128xf32, #tpu.memory_space<hbm>>
      %dma_wait3A_507 = tpu.memref_squeeze %dma_wait3A_506 : memref<1x128x128xf32, #tpu.memory_space<hbm>> -> memref<128x128xf32, #tpu.memory_space<hbm>>
      %dma_wait3A_508 = arith.constant 0 : i32
      %dma_wait3A_509 = tpu.memref_slice %arg6[%add3A_492, %mul3A_2, %dma_wait3A_508] : memref<50x4096x128xf32, #tpu.memory_space<hbm>> -> memref<1x128x128xf32, #tpu.memory_space<hbm>>
      %dma_wait3A_510 = tpu.memref_squeeze %dma_wait3A_509 : memref<1x128x128xf32, #tpu.memory_space<hbm>> -> memref<128x128xf32, #tpu.memory_space<hbm>>
      tpu.wait_dma2 semaphore(%arg16 : memref<!tpu.dma_semaphore, #tpu.memory_space<semaphore_mem>>) src(%arg13 : memref<128x128xf32, #tpu.memory_space<vmem>>) dst(%dma_wait3A_510 : memref<128x128xf32, #tpu.memory_space<hbm>>)
      %add3A_511 = arith.constant 3 : i32
      %add3A_512 = arith.addi %add3A_492, %add3A_511 : i32
      %dma_start3A_513 = arith.constant 0 : i32
      %dma_start3A_514 = tpu.memref_slice %arg8[%add3A_512, %dma_start3A_513] : memref<50x128xi32, #tpu.memory_space<vmem>> -> memref<1x128xi32, #tpu.memory_space<vmem>>
      %dma_start3A_515 = tpu.memref_squeeze %dma_start3A_514 : memref<1x128xi32, #tpu.memory_space<vmem>> -> memref<128xi32, #tpu.memory_space<vmem>>
      %dma_start3A_516 = arith.constant 0 : i32
      %dma_start3A_517 = arith.constant 0 : i32
      %dma_start3A_518 = tpu.memref_slice %arg4[%dma_start3A_516, %dma_start3A_517] : memref<100000x128xf32, #tpu.memory_space<hbm>> -> memref<100000x128xf32, #tpu.memory_space<hbm>>
      tpu.enqueue_indirect_dma source(%dma_start3A_518 : memref<100000x128xf32, #tpu.memory_space<hbm>>) target(%arg10 : memref<128x128xf32, #tpu.memory_space<vmem>>) offsets(%dma_start3A_515 : memref<128xi32, #tpu.memory_space<vmem>>) semaphore(%arg15 : memref<!tpu.dma_semaphore, #tpu.memory_space<semaphore_mem>>)
      %add3A_519 = arith.constant 2 : i32
      %add3A_520 = arith.addi %add3A_462, %add3A_519 : i32
      %dma_wait3A_521 = arith.constant 0 : i32
      %dma_wait3A_522 = tpu.memref_slice %arg8[%add3A_520, %dma_wait3A_521] : memref<50x128xi32, #tpu.memory_space<vmem>> -> memref<1x128xi32, #tpu.memory_space<vmem>>
      %dma_wait3A_523 = tpu.memref_squeeze %dma_wait3A_522 : memref<1x128xi32, #tpu.memory_space<vmem>> -> memref<128xi32, #tpu.memory_space<vmem>>
      %dma_wait3A_524 = arith.constant 0 : i32
      %dma_wait3A_525 = arith.constant 0 : i32
      %dma_wait3A_526 = tpu.memref_slice %arg4[%dma_wait3A_524, %dma_wait3A_525] : memref<100000x128xf32, #tpu.memory_space<hbm>> -> memref<100000x128xf32, #tpu.memory_space<hbm>>
      tpu.wait_indirect_dma semaphore(%arg15 : memref<!tpu.dma_semaphore, #tpu.memory_space<semaphore_mem>>) src(%dma_wait3A_526 : memref<100000x128xf32, #tpu.memory_space<hbm>>) dst(%arg14 : memref<128x128xf32, #tpu.memory_space<vmem>>)
      %dma_start3A_527 = arith.constant 0 : i32
      %dma_start3A_528 = tpu.memref_slice %arg6[%add3A_520, %mul3A_2, %dma_start3A_527] : memref<50x4096x128xf32, #tpu.memory_space<hbm>> -> memref<1x128x128xf32, #tpu.memory_space<hbm>>
      %dma_start3A_529 = tpu.memref_squeeze %dma_start3A_528 : memref<1x128x128xf32, #tpu.memory_space<hbm>> -> memref<128x128xf32, #tpu.memory_space<hbm>>
      %dma_start3A_530 = arith.constant 0 : i32
      %dma_start3A_531 = tpu.memref_slice %arg6[%add3A_520, %mul3A_2, %dma_start3A_530] : memref<50x4096x128xf32, #tpu.memory_space<hbm>> -> memref<1x128x128xf32, #tpu.memory_space<hbm>>
      %dma_start3A_532 = tpu.memref_squeeze %dma_start3A_531 : memref<1x128x128xf32, #tpu.memory_space<hbm>> -> memref<128x128xf32, #tpu.memory_space<hbm>>
      tpu.enqueue_dma source(%arg14 : memref<128x128xf32, #tpu.memory_space<vmem>>) target(%dma_start3A_532 : memref<128x128xf32, #tpu.memory_space<hbm>>) target_semaphore(%arg16 : memref<!tpu.dma_semaphore, #tpu.memory_space<semaphore_mem>>)
      %dma_wait3A_533 = arith.constant 0 : i32
      %dma_wait3A_534 = tpu.memref_slice %arg6[%add3A_520, %mul3A_2, %dma_wait3A_533] : memref<50x4096x128xf32, #tpu.memory_space<hbm>> -> memref<1x128x128xf32, #tpu.memory_space<hbm>>
      %dma_wait3A_535 = tpu.memref_squeeze %dma_wait3A_534 : memref<1x128x128xf32, #tpu.memory_space<hbm>> -> memref<128x128xf32, #tpu.memory_space<hbm>>
      %dma_wait3A_536 = arith.constant 0 : i32
      %dma_wait3A_537 = tpu.memref_slice %arg6[%add3A_520, %mul3A_2, %dma_wait3A_536] : memref<50x4096x128xf32, #tpu.memory_space<hbm>> -> memref<1x128x128xf32, #tpu.memory_space<hbm>>
      %dma_wait3A_538 = tpu.memref_squeeze %dma_wait3A_537 : memref<1x128x128xf32, #tpu.memory_space<hbm>> -> memref<128x128xf32, #tpu.memory_space<hbm>>
      tpu.wait_dma2 semaphore(%arg16 : memref<!tpu.dma_semaphore, #tpu.memory_space<semaphore_mem>>) src(%arg14 : memref<128x128xf32, #tpu.memory_space<vmem>>) dst(%dma_wait3A_538 : memref<128x128xf32, #tpu.memory_space<hbm>>)
      %add3A_539 = arith.constant 3 : i32
      %add3A_540 = arith.addi %add3A_520, %add3A_539 : i32
      %dma_start3A_541 = arith.constant 0 : i32
      %dma_start3A_542 = tpu.memref_slice %arg8[%add3A_540, %dma_start3A_541] : memref<50x128xi32, #tpu.memory_space<vmem>> -> memref<1x128xi32, #tpu.memory_space<vmem>>
      %dma_start3A_543 = tpu.memref_squeeze %dma_start3A_542 : memref<1x128xi32, #tpu.memory_space<vmem>> -> memref<128xi32, #tpu.memory_space<vmem>>
      %dma_start3A_544 = arith.constant 0 : i32
      %dma_start3A_545 = arith.constant 0 : i32
      %dma_start3A_546 = tpu.memref_slice %arg4[%dma_start3A_544, %dma_start3A_545] : memref<100000x128xf32, #tpu.memory_space<hbm>> -> memref<100000x128xf32, #tpu.memory_space<hbm>>
      tpu.enqueue_indirect_dma source(%dma_start3A_546 : memref<100000x128xf32, #tpu.memory_space<hbm>>) target(%arg11 : memref<128x128xf32, #tpu.memory_space<vmem>>) offsets(%dma_start3A_543 : memref<128xi32, #tpu.memory_space<vmem>>) semaphore(%arg15 : memref<!tpu.dma_semaphore, #tpu.memory_space<semaphore_mem>>)
      %add3A_547 = arith.constant 3 : i32
      %add3A_548 = arith.addi %add3A_462, %add3A_547 : i32
      %dma_wait3A_549 = arith.constant 0 : i32
      %dma_wait3A_550 = tpu.memref_slice %arg8[%add3A_548, %dma_wait3A_549] : memref<50x128xi32, #tpu.memory_space<vmem>> -> memref<1x128xi32, #tpu.memory_space<vmem>>
      %dma_wait3A_551 = tpu.memref_squeeze %dma_wait3A_550 : memref<1x128xi32, #tpu.memory_space<vmem>> -> memref<128xi32, #tpu.memory_space<vmem>>
      %dma_wait3A_552 = arith.constant 0 : i32
      %dma_wait3A_553 = arith.constant 0 : i32
      %dma_wait3A_554 = tpu.memref_slice %arg4[%dma_wait3A_552, %dma_wait3A_553] : memref<100000x128xf32, #tpu.memory_space<hbm>> -> memref<100000x128xf32, #tpu.memory_space<hbm>>
      tpu.wait_indirect_dma semaphore(%arg15 : memref<!tpu.dma_semaphore, #tpu.memory_space<semaphore_mem>>) src(%dma_wait3A_554 : memref<100000x128xf32, #tpu.memory_space<hbm>>) dst(%arg9 : memref<128x128xf32, #tpu.memory_space<vmem>>)
      %dma_start3A_555 = arith.constant 0 : i32
      %dma_start3A_556 = tpu.memref_slice %arg6[%add3A_548, %mul3A_2, %dma_start3A_555] : memref<50x4096x128xf32, #tpu.memory_space<hbm>> -> memref<1x128x128xf32, #tpu.memory_space<hbm>>
      %dma_start3A_557 = tpu.memref_squeeze %dma_start3A_556 : memref<1x128x128xf32, #tpu.memory_space<hbm>> -> memref<128x128xf32, #tpu.memory_space<hbm>>
      %dma_start3A_558 = arith.constant 0 : i32
      %dma_start3A_559 = tpu.memref_slice %arg6[%add3A_548, %mul3A_2, %dma_start3A_558] : memref<50x4096x128xf32, #tpu.memory_space<hbm>> -> memref<1x128x128xf32, #tpu.memory_space<hbm>>
      %dma_start3A_560 = tpu.memref_squeeze %dma_start3A_559 : memref<1x128x128xf32, #tpu.memory_space<hbm>> -> memref<128x128xf32, #tpu.memory_space<hbm>>
      tpu.enqueue_dma source(%arg9 : memref<128x128xf32, #tpu.memory_space<vmem>>) target(%dma_start3A_560 : memref<128x128xf32, #tpu.memory_space<hbm>>) target_semaphore(%arg16 : memref<!tpu.dma_semaphore, #tpu.memory_space<semaphore_mem>>)
      %dma_wait3A_561 = arith.constant 0 : i32
      %dma_wait3A_562 = tpu.memref_slice %arg6[%add3A_548, %mul3A_2, %dma_wait3A_561] : memref<50x4096x128xf32, #tpu.memory_space<hbm>> -> memref<1x128x128xf32, #tpu.memory_space<hbm>>
      %dma_wait3A_563 = tpu.memref_squeeze %dma_wait3A_562 : memref<1x128x128xf32, #tpu.memory_space<hbm>> -> memref<128x128xf32, #tpu.memory_space<hbm>>
      %dma_wait3A_564 = arith.constant 0 : i32
      %dma_wait3A_565 = tpu.memref_slice %arg6[%add3A_548, %mul3A_2, %dma_wait3A_564] : memref<50x4096x128xf32, #tpu.memory_space<hbm>> -> memref<1x128x128xf32, #tpu.memory_space<hbm>>
      %dma_wait3A_566 = tpu.memref_squeeze %dma_wait3A_565 : memref<1x128x128xf32, #tpu.memory_space<hbm>> -> memref<128x128xf32, #tpu.memory_space<hbm>>
      tpu.wait_dma2 semaphore(%arg16 : memref<!tpu.dma_semaphore, #tpu.memory_space<semaphore_mem>>) src(%arg9 : memref<128x128xf32, #tpu.memory_space<vmem>>) dst(%dma_wait3A_566 : memref<128x128xf32, #tpu.memory_space<hbm>>)
      %add3A_567 = arith.constant 3 : i32
      %add3A_568 = arith.addi %add3A_548, %add3A_567 : i32
      %dma_start3A_569 = arith.constant 0 : i32
      %dma_start3A_570 = tpu.memref_slice %arg8[%add3A_568, %dma_start3A_569] : memref<50x128xi32, #tpu.memory_space<vmem>> -> memref<1x128xi32, #tpu.memory_space<vmem>>
      %dma_start3A_571 = tpu.memref_squeeze %dma_start3A_570 : memref<1x128xi32, #tpu.memory_space<vmem>> -> memref<128xi32, #tpu.memory_space<vmem>>
      %dma_start3A_572 = arith.constant 0 : i32
      %dma_start3A_573 = arith.constant 0 : i32
      %dma_start3A_574 = tpu.memref_slice %arg4[%dma_start3A_572, %dma_start3A_573] : memref<100000x128xf32, #tpu.memory_space<hbm>> -> memref<100000x128xf32, #tpu.memory_space<hbm>>
      tpu.enqueue_indirect_dma source(%dma_start3A_574 : memref<100000x128xf32, #tpu.memory_space<hbm>>) target(%arg12 : memref<128x128xf32, #tpu.memory_space<vmem>>) offsets(%dma_start3A_571 : memref<128xi32, #tpu.memory_space<vmem>>) semaphore(%arg15 : memref<!tpu.dma_semaphore, #tpu.memory_space<semaphore_mem>>)
      %add3A_575 = arith.constant 4 : i32
      %add3A_576 = arith.addi %add3A_462, %add3A_575 : i32
      %dma_wait3A_577 = arith.constant 0 : i32
      %dma_wait3A_578 = tpu.memref_slice %arg8[%add3A_576, %dma_wait3A_577] : memref<50x128xi32, #tpu.memory_space<vmem>> -> memref<1x128xi32, #tpu.memory_space<vmem>>
      %dma_wait3A_579 = tpu.memref_squeeze %dma_wait3A_578 : memref<1x128xi32, #tpu.memory_space<vmem>> -> memref<128xi32, #tpu.memory_space<vmem>>
      %dma_wait3A_580 = arith.constant 0 : i32
      %dma_wait3A_581 = arith.constant 0 : i32
      %dma_wait3A_582 = tpu.memref_slice %arg4[%dma_wait3A_580, %dma_wait3A_581] : memref<100000x128xf32, #tpu.memory_space<hbm>> -> memref<100000x128xf32, #tpu.memory_space<hbm>>
      tpu.wait_indirect_dma semaphore(%arg15 : memref<!tpu.dma_semaphore, #tpu.memory_space<semaphore_mem>>) src(%dma_wait3A_582 : memref<100000x128xf32, #tpu.memory_space<hbm>>) dst(%arg10 : memref<128x128xf32, #tpu.memory_space<vmem>>)
      %dma_start3A_583 = arith.constant 0 : i32
      %dma_start3A_584 = tpu.memref_slice %arg6[%add3A_576, %mul3A_2, %dma_start3A_583] : memref<50x4096x128xf32, #tpu.memory_space<hbm>> -> memref<1x128x128xf32, #tpu.memory_space<hbm>>
      %dma_start3A_585 = tpu.memref_squeeze %dma_start3A_584 : memref<1x128x128xf32, #tpu.memory_space<hbm>> -> memref<128x128xf32, #tpu.memory_space<hbm>>
      %dma_start3A_586 = arith.constant 0 : i32
      %dma_start3A_587 = tpu.memref_slice %arg6[%add3A_576, %mul3A_2, %dma_start3A_586] : memref<50x4096x128xf32, #tpu.memory_space<hbm>> -> memref<1x128x128xf32, #tpu.memory_space<hbm>>
      %dma_start3A_588 = tpu.memref_squeeze %dma_start3A_587 : memref<1x128x128xf32, #tpu.memory_space<hbm>> -> memref<128x128xf32, #tpu.memory_space<hbm>>
      tpu.enqueue_dma source(%arg10 : memref<128x128xf32, #tpu.memory_space<vmem>>) target(%dma_start3A_588 : memref<128x128xf32, #tpu.memory_space<hbm>>) target_semaphore(%arg16 : memref<!tpu.dma_semaphore, #tpu.memory_space<semaphore_mem>>)
      %dma_wait3A_589 = arith.constant 0 : i32
      %dma_wait3A_590 = tpu.memref_slice %arg6[%add3A_576, %mul3A_2, %dma_wait3A_589] : memref<50x4096x128xf32, #tpu.memory_space<hbm>> -> memref<1x128x128xf32, #tpu.memory_space<hbm>>
      %dma_wait3A_591 = tpu.memref_squeeze %dma_wait3A_590 : memref<1x128x128xf32, #tpu.memory_space<hbm>> -> memref<128x128xf32, #tpu.memory_space<hbm>>
      %dma_wait3A_592 = arith.constant 0 : i32
      %dma_wait3A_593 = tpu.memref_slice %arg6[%add3A_576, %mul3A_2, %dma_wait3A_592] : memref<50x4096x128xf32, #tpu.memory_space<hbm>> -> memref<1x128x128xf32, #tpu.memory_space<hbm>>
      %dma_wait3A_594 = tpu.memref_squeeze %dma_wait3A_593 : memref<1x128x128xf32, #tpu.memory_space<hbm>> -> memref<128x128xf32, #tpu.memory_space<hbm>>
      tpu.wait_dma2 semaphore(%arg16 : memref<!tpu.dma_semaphore, #tpu.memory_space<semaphore_mem>>) src(%arg10 : memref<128x128xf32, #tpu.memory_space<vmem>>) dst(%dma_wait3A_594 : memref<128x128xf32, #tpu.memory_space<hbm>>)
      %add3A_595 = arith.constant 3 : i32
      %add3A_596 = arith.addi %add3A_576, %add3A_595 : i32
      %dma_start3A_597 = arith.constant 0 : i32
      %dma_start3A_598 = tpu.memref_slice %arg8[%add3A_596, %dma_start3A_597] : memref<50x128xi32, #tpu.memory_space<vmem>> -> memref<1x128xi32, #tpu.memory_space<vmem>>
      %dma_start3A_599 = tpu.memref_squeeze %dma_start3A_598 : memref<1x128xi32, #tpu.memory_space<vmem>> -> memref<128xi32, #tpu.memory_space<vmem>>
      %dma_start3A_600 = arith.constant 0 : i32
      %dma_start3A_601 = arith.constant 0 : i32
      %dma_start3A_602 = tpu.memref_slice %arg4[%dma_start3A_600, %dma_start3A_601] : memref<100000x128xf32, #tpu.memory_space<hbm>> -> memref<100000x128xf32, #tpu.memory_space<hbm>>
      tpu.enqueue_indirect_dma source(%dma_start3A_602 : memref<100000x128xf32, #tpu.memory_space<hbm>>) target(%arg13 : memref<128x128xf32, #tpu.memory_space<vmem>>) offsets(%dma_start3A_599 : memref<128xi32, #tpu.memory_space<vmem>>) semaphore(%arg15 : memref<!tpu.dma_semaphore, #tpu.memory_space<semaphore_mem>>)
      %add3A_603 = arith.constant 5 : i32
      %add3A_604 = arith.addi %add3A_462, %add3A_603 : i32
      %dma_wait3A_605 = arith.constant 0 : i32
      %dma_wait3A_606 = tpu.memref_slice %arg8[%add3A_604, %dma_wait3A_605] : memref<50x128xi32, #tpu.memory_space<vmem>> -> memref<1x128xi32, #tpu.memory_space<vmem>>
      %dma_wait3A_607 = tpu.memref_squeeze %dma_wait3A_606 : memref<1x128xi32, #tpu.memory_space<vmem>> -> memref<128xi32, #tpu.memory_space<vmem>>
      %dma_wait3A_608 = arith.constant 0 : i32
      %dma_wait3A_609 = arith.constant 0 : i32
      %dma_wait3A_610 = tpu.memref_slice %arg4[%dma_wait3A_608, %dma_wait3A_609] : memref<100000x128xf32, #tpu.memory_space<hbm>> -> memref<100000x128xf32, #tpu.memory_space<hbm>>
      tpu.wait_indirect_dma semaphore(%arg15 : memref<!tpu.dma_semaphore, #tpu.memory_space<semaphore_mem>>) src(%dma_wait3A_610 : memref<100000x128xf32, #tpu.memory_space<hbm>>) dst(%arg11 : memref<128x128xf32, #tpu.memory_space<vmem>>)
      %dma_start3A_611 = arith.constant 0 : i32
      %dma_start3A_612 = tpu.memref_slice %arg6[%add3A_604, %mul3A_2, %dma_start3A_611] : memref<50x4096x128xf32, #tpu.memory_space<hbm>> -> memref<1x128x128xf32, #tpu.memory_space<hbm>>
      %dma_start3A_613 = tpu.memref_squeeze %dma_start3A_612 : memref<1x128x128xf32, #tpu.memory_space<hbm>> -> memref<128x128xf32, #tpu.memory_space<hbm>>
      %dma_start3A_614 = arith.constant 0 : i32
      %dma_start3A_615 = tpu.memref_slice %arg6[%add3A_604, %mul3A_2, %dma_start3A_614] : memref<50x4096x128xf32, #tpu.memory_space<hbm>> -> memref<1x128x128xf32, #tpu.memory_space<hbm>>
      %dma_start3A_616 = tpu.memref_squeeze %dma_start3A_615 : memref<1x128x128xf32, #tpu.memory_space<hbm>> -> memref<128x128xf32, #tpu.memory_space<hbm>>
      tpu.enqueue_dma source(%arg11 : memref<128x128xf32, #tpu.memory_space<vmem>>) target(%dma_start3A_616 : memref<128x128xf32, #tpu.memory_space<hbm>>) target_semaphore(%arg16 : memref<!tpu.dma_semaphore, #tpu.memory_space<semaphore_mem>>)
      %dma_wait3A_617 = arith.constant 0 : i32
      %dma_wait3A_618 = tpu.memref_slice %arg6[%add3A_604, %mul3A_2, %dma_wait3A_617] : memref<50x4096x128xf32, #tpu.memory_space<hbm>> -> memref<1x128x128xf32, #tpu.memory_space<hbm>>
      %dma_wait3A_619 = tpu.memref_squeeze %dma_wait3A_618 : memref<1x128x128xf32, #tpu.memory_space<hbm>> -> memref<128x128xf32, #tpu.memory_space<hbm>>
      %dma_wait3A_620 = arith.constant 0 : i32
      %dma_wait3A_621 = tpu.memref_slice %arg6[%add3A_604, %mul3A_2, %dma_wait3A_620] : memref<50x4096x128xf32, #tpu.memory_space<hbm>> -> memref<1x128x128xf32, #tpu.memory_space<hbm>>
      %dma_wait3A_622 = tpu.memref_squeeze %dma_wait3A_621 : memref<1x128x128xf32, #tpu.memory_space<hbm>> -> memref<128x128xf32, #tpu.memory_space<hbm>>
      tpu.wait_dma2 semaphore(%arg16 : memref<!tpu.dma_semaphore, #tpu.memory_space<semaphore_mem>>) src(%arg11 : memref<128x128xf32, #tpu.memory_space<vmem>>) dst(%dma_wait3A_622 : memref<128x128xf32, #tpu.memory_space<hbm>>)
      %add3A_623 = arith.constant 3 : i32
      %add3A_624 = arith.addi %add3A_604, %add3A_623 : i32
      %dma_start3A_625 = arith.constant 0 : i32
      %dma_start3A_626 = tpu.memref_slice %arg8[%add3A_624, %dma_start3A_625] : memref<50x128xi32, #tpu.memory_space<vmem>> -> memref<1x128xi32, #tpu.memory_space<vmem>>
      %dma_start3A_627 = tpu.memref_squeeze %dma_start3A_626 : memref<1x128xi32, #tpu.memory_space<vmem>> -> memref<128xi32, #tpu.memory_space<vmem>>
      %dma_start3A_628 = arith.constant 0 : i32
      %dma_start3A_629 = arith.constant 0 : i32
      %dma_start3A_630 = tpu.memref_slice %arg4[%dma_start3A_628, %dma_start3A_629] : memref<100000x128xf32, #tpu.memory_space<hbm>> -> memref<100000x128xf32, #tpu.memory_space<hbm>>
      tpu.enqueue_indirect_dma source(%dma_start3A_630 : memref<100000x128xf32, #tpu.memory_space<hbm>>) target(%arg14 : memref<128x128xf32, #tpu.memory_space<vmem>>) offsets(%dma_start3A_627 : memref<128xi32, #tpu.memory_space<vmem>>) semaphore(%arg15 : memref<!tpu.dma_semaphore, #tpu.memory_space<semaphore_mem>>)
    }
    %scan3A_88 = arith.constant 7 : i32
    %dma_wait3A_89 = arith.constant 45 : i32
    %dma_wait3A_90 = arith.constant 0 : i32
    %dma_wait3A_91 = tpu.memref_slice %arg8[%dma_wait3A_89, %dma_wait3A_90] : memref<50x128xi32, #tpu.memory_space<vmem>> -> memref<1x128xi32, #tpu.memory_space<vmem>>
    %dma_wait3A_92 = tpu.memref_squeeze %dma_wait3A_91 : memref<1x128xi32, #tpu.memory_space<vmem>> -> memref<128xi32, #tpu.memory_space<vmem>>
    %dma_wait3A_93 = arith.constant 0 : i32
    %dma_wait3A_94 = arith.constant 0 : i32
    %dma_wait3A_95 = tpu.memref_slice %arg4[%dma_wait3A_93, %dma_wait3A_94] : memref<100000x128xf32, #tpu.memory_space<hbm>> -> memref<100000x128xf32, #tpu.memory_space<hbm>>
    tpu.wait_indirect_dma semaphore(%arg15 : memref<!tpu.dma_semaphore, #tpu.memory_space<semaphore_mem>>) src(%dma_wait3A_95 : memref<100000x128xf32, #tpu.memory_space<hbm>>) dst(%arg12 : memref<128x128xf32, #tpu.memory_space<vmem>>)
    %dma_start3A_96 = arith.constant 45 : i32
    %dma_start3A_97 = arith.constant 0 : i32
    %dma_start3A_98 = tpu.memref_slice %arg6[%dma_start3A_96, %mul3A_2, %dma_start3A_97] : memref<50x4096x128xf32, #tpu.memory_space<hbm>> -> memref<1x128x128xf32, #tpu.memory_space<hbm>>
    %dma_start3A_99 = tpu.memref_squeeze %dma_start3A_98 : memref<1x128x128xf32, #tpu.memory_space<hbm>> -> memref<128x128xf32, #tpu.memory_space<hbm>>
    %dma_start3A_100 = arith.constant 0 : i32
    %dma_start3A_101 = tpu.memref_slice %arg6[%dma_start3A_96, %mul3A_2, %dma_start3A_100] : memref<50x4096x128xf32, #tpu.memory_space<hbm>> -> memref<1x128x128xf32, #tpu.memory_space<hbm>>
    %dma_start3A_102 = tpu.memref_squeeze %dma_start3A_101 : memref<1x128x128xf32, #tpu.memory_space<hbm>> -> memref<128x128xf32, #tpu.memory_space<hbm>>
    tpu.enqueue_dma source(%arg12 : memref<128x128xf32, #tpu.memory_space<vmem>>) target(%dma_start3A_102 : memref<128x128xf32, #tpu.memory_space<hbm>>) target_semaphore(%arg16 : memref<!tpu.dma_semaphore, #tpu.memory_space<semaphore_mem>>)
    %dma_wait3A_103 = arith.constant 45 : i32
    %dma_wait3A_104 = arith.constant 0 : i32
    %dma_wait3A_105 = tpu.memref_slice %arg6[%dma_wait3A_103, %mul3A_2, %dma_wait3A_104] : memref<50x4096x128xf32, #tpu.memory_space<hbm>> -> memref<1x128x128xf32, #tpu.memory_space<hbm>>
    %dma_wait3A_106 = tpu.memref_squeeze %dma_wait3A_105 : memref<1x128x128xf32, #tpu.memory_space<hbm>> -> memref<128x128xf32, #tpu.memory_space<hbm>>
    %dma_wait3A_107 = arith.constant 0 : i32
    %dma_wait3A_108 = tpu.memref_slice %arg6[%dma_wait3A_103, %mul3A_2, %dma_wait3A_107] : memref<50x4096x128xf32, #tpu.memory_space<hbm>> -> memref<1x128x128xf32, #tpu.memory_space<hbm>>
    %dma_wait3A_109 = tpu.memref_squeeze %dma_wait3A_108 : memref<1x128x128xf32, #tpu.memory_space<hbm>> -> memref<128x128xf32, #tpu.memory_space<hbm>>
    tpu.wait_dma2 semaphore(%arg16 : memref<!tpu.dma_semaphore, #tpu.memory_space<semaphore_mem>>) src(%arg12 : memref<128x128xf32, #tpu.memory_space<vmem>>) dst(%dma_wait3A_109 : memref<128x128xf32, #tpu.memory_space<hbm>>)
    %dma_start3A_110 = arith.constant 48 : i32
    %dma_start3A_111 = arith.constant 0 : i32
    %dma_start3A_112 = tpu.memref_slice %arg8[%dma_start3A_110, %dma_start3A_111] : memref<50x128xi32, #tpu.memory_space<vmem>> -> memref<1x128xi32, #tpu.memory_space<vmem>>
    %dma_start3A_113 = tpu.memref_squeeze %dma_start3A_112 : memref<1x128xi32, #tpu.memory_space<vmem>> -> memref<128xi32, #tpu.memory_space<vmem>>
    %dma_start3A_114 = arith.constant 0 : i32
    %dma_start3A_115 = arith.constant 0 : i32
    %dma_start3A_116 = tpu.memref_slice %arg4[%dma_start3A_114, %dma_start3A_115] : memref<100000x128xf32, #tpu.memory_space<hbm>> -> memref<100000x128xf32, #tpu.memory_space<hbm>>
    tpu.enqueue_indirect_dma source(%dma_start3A_116 : memref<100000x128xf32, #tpu.memory_space<hbm>>) target(%arg9 : memref<128x128xf32, #tpu.memory_space<vmem>>) offsets(%dma_start3A_113 : memref<128xi32, #tpu.memory_space<vmem>>) semaphore(%arg15 : memref<!tpu.dma_semaphore, #tpu.memory_space<semaphore_mem>>)
    %dma_wait3A_117 = arith.constant 46 : i32
    %dma_wait3A_118 = arith.constant 0 : i32
    %dma_wait3A_119 = tpu.memref_slice %arg8[%dma_wait3A_117, %dma_wait3A_118] : memref<50x128xi32, #tpu.memory_space<vmem>> -> memref<1x128xi32, #tpu.memory_space<vmem>>
    %dma_wait3A_120 = tpu.memref_squeeze %dma_wait3A_119 : memref<1x128xi32, #tpu.memory_space<vmem>> -> memref<128xi32, #tpu.memory_space<vmem>>
    %dma_wait3A_121 = arith.constant 0 : i32
    %dma_wait3A_122 = arith.constant 0 : i32
    %dma_wait3A_123 = tpu.memref_slice %arg4[%dma_wait3A_121, %dma_wait3A_122] : memref<100000x128xf32, #tpu.memory_space<hbm>> -> memref<100000x128xf32, #tpu.memory_space<hbm>>
    tpu.wait_indirect_dma semaphore(%arg15 : memref<!tpu.dma_semaphore, #tpu.memory_space<semaphore_mem>>) src(%dma_wait3A_123 : memref<100000x128xf32, #tpu.memory_space<hbm>>) dst(%arg13 : memref<128x128xf32, #tpu.memory_space<vmem>>)
    %dma_start3A_124 = arith.constant 46 : i32
    %dma_start3A_125 = arith.constant 0 : i32
    %dma_start3A_126 = tpu.memref_slice %arg6[%dma_start3A_124, %mul3A_2, %dma_start3A_125] : memref<50x4096x128xf32, #tpu.memory_space<hbm>> -> memref<1x128x128xf32, #tpu.memory_space<hbm>>
    %dma_start3A_127 = tpu.memref_squeeze %dma_start3A_126 : memref<1x128x128xf32, #tpu.memory_space<hbm>> -> memref<128x128xf32, #tpu.memory_space<hbm>>
    %dma_start3A_128 = arith.constant 0 : i32
    %dma_start3A_129 = tpu.memref_slice %arg6[%dma_start3A_124, %mul3A_2, %dma_start3A_128] : memref<50x4096x128xf32, #tpu.memory_space<hbm>> -> memref<1x128x128xf32, #tpu.memory_space<hbm>>
    %dma_start3A_130 = tpu.memref_squeeze %dma_start3A_129 : memref<1x128x128xf32, #tpu.memory_space<hbm>> -> memref<128x128xf32, #tpu.memory_space<hbm>>
    tpu.enqueue_dma source(%arg13 : memref<128x128xf32, #tpu.memory_space<vmem>>) target(%dma_start3A_130 : memref<128x128xf32, #tpu.memory_space<hbm>>) target_semaphore(%arg16 : memref<!tpu.dma_semaphore, #tpu.memory_space<semaphore_mem>>)
    %dma_wait3A_131 = arith.constant 46 : i32
    %dma_wait3A_132 = arith.constant 0 : i32
    %dma_wait3A_133 = tpu.memref_slice %arg6[%dma_wait3A_131, %mul3A_2, %dma_wait3A_132] : memref<50x4096x128xf32, #tpu.memory_space<hbm>> -> memref<1x128x128xf32, #tpu.memory_space<hbm>>
    %dma_wait3A_134 = tpu.memref_squeeze %dma_wait3A_133 : memref<1x128x128xf32, #tpu.memory_space<hbm>> -> memref<128x128xf32, #tpu.memory_space<hbm>>
    %dma_wait3A_135 = arith.constant 0 : i32
    %dma_wait3A_136 = tpu.memref_slice %arg6[%dma_wait3A_131, %mul3A_2, %dma_wait3A_135] : memref<50x4096x128xf32, #tpu.memory_space<hbm>> -> memref<1x128x128xf32, #tpu.memory_space<hbm>>
    %dma_wait3A_137 = tpu.memref_squeeze %dma_wait3A_136 : memref<1x128x128xf32, #tpu.memory_space<hbm>> -> memref<128x128xf32, #tpu.memory_space<hbm>>
    tpu.wait_dma2 semaphore(%arg16 : memref<!tpu.dma_semaphore, #tpu.memory_space<semaphore_mem>>) src(%arg13 : memref<128x128xf32, #tpu.memory_space<vmem>>) dst(%dma_wait3A_137 : memref<128x128xf32, #tpu.memory_space<hbm>>)
    %dma_start3A_138 = arith.constant 49 : i32
    %dma_start3A_139 = arith.constant 0 : i32
    %dma_start3A_140 = tpu.memref_slice %arg8[%dma_start3A_138, %dma_start3A_139] : memref<50x128xi32, #tpu.memory_space<vmem>> -> memref<1x128xi32, #tpu.memory_space<vmem>>
    %dma_start3A_141 = tpu.memref_squeeze %dma_start3A_140 : memref<1x128xi32, #tpu.memory_space<vmem>> -> memref<128xi32, #tpu.memory_space<vmem>>
    %dma_start3A_142 = arith.constant 0 : i32
    %dma_start3A_143 = arith.constant 0 : i32
    %dma_start3A_144 = tpu.memref_slice %arg4[%dma_start3A_142, %dma_start3A_143] : memref<100000x128xf32, #tpu.memory_space<hbm>> -> memref<100000x128xf32, #tpu.memory_space<hbm>>
    tpu.enqueue_indirect_dma source(%dma_start3A_144 : memref<100000x128xf32, #tpu.memory_space<hbm>>) target(%arg10 : memref<128x128xf32, #tpu.memory_space<vmem>>) offsets(%dma_start3A_141 : memref<128xi32, #tpu.memory_space<vmem>>) semaphore(%arg15 : memref<!tpu.dma_semaphore, #tpu.memory_space<semaphore_mem>>)
    %dma_wait3A_145 = arith.constant 47 : i32
    %dma_wait3A_146 = arith.constant 0 : i32
    %dma_wait3A_147 = tpu.memref_slice %arg8[%dma_wait3A_145, %dma_wait3A_146] : memref<50x128xi32, #tpu.memory_space<vmem>> -> memref<1x128xi32, #tpu.memory_space<vmem>>
    %dma_wait3A_148 = tpu.memref_squeeze %dma_wait3A_147 : memref<1x128xi32, #tpu.memory_space<vmem>> -> memref<128xi32, #tpu.memory_space<vmem>>
    %dma_wait3A_149 = arith.constant 0 : i32
    %dma_wait3A_150 = arith.constant 0 : i32
    %dma_wait3A_151 = tpu.memref_slice %arg4[%dma_wait3A_149, %dma_wait3A_150] : memref<100000x128xf32, #tpu.memory_space<hbm>> -> memref<100000x128xf32, #tpu.memory_space<hbm>>
    tpu.wait_indirect_dma semaphore(%arg15 : memref<!tpu.dma_semaphore, #tpu.memory_space<semaphore_mem>>) src(%dma_wait3A_151 : memref<100000x128xf32, #tpu.memory_space<hbm>>) dst(%arg14 : memref<128x128xf32, #tpu.memory_space<vmem>>)
    %dma_start3A_152 = arith.constant 47 : i32
    %dma_start3A_153 = arith.constant 0 : i32
    %dma_start3A_154 = tpu.memref_slice %arg6[%dma_start3A_152, %mul3A_2, %dma_start3A_153] : memref<50x4096x128xf32, #tpu.memory_space<hbm>> -> memref<1x128x128xf32, #tpu.memory_space<hbm>>
    %dma_start3A_155 = tpu.memref_squeeze %dma_start3A_154 : memref<1x128x128xf32, #tpu.memory_space<hbm>> -> memref<128x128xf32, #tpu.memory_space<hbm>>
    %dma_start3A_156 = arith.constant 0 : i32
    %dma_start3A_157 = tpu.memref_slice %arg6[%dma_start3A_152, %mul3A_2, %dma_start3A_156] : memref<50x4096x128xf32, #tpu.memory_space<hbm>> -> memref<1x128x128xf32, #tpu.memory_space<hbm>>
    %dma_start3A_158 = tpu.memref_squeeze %dma_start3A_157 : memref<1x128x128xf32, #tpu.memory_space<hbm>> -> memref<128x128xf32, #tpu.memory_space<hbm>>
    tpu.enqueue_dma source(%arg14 : memref<128x128xf32, #tpu.memory_space<vmem>>) target(%dma_start3A_158 : memref<128x128xf32, #tpu.memory_space<hbm>>) target_semaphore(%arg16 : memref<!tpu.dma_semaphore, #tpu.memory_space<semaphore_mem>>)
    %dma_wait3A_159 = arith.constant 47 : i32
    %dma_wait3A_160 = arith.constant 0 : i32
    %dma_wait3A_161 = tpu.memref_slice %arg6[%dma_wait3A_159, %mul3A_2, %dma_wait3A_160] : memref<50x4096x128xf32, #tpu.memory_space<hbm>> -> memref<1x128x128xf32, #tpu.memory_space<hbm>>
    %dma_wait3A_162 = tpu.memref_squeeze %dma_wait3A_161 : memref<1x128x128xf32, #tpu.memory_space<hbm>> -> memref<128x128xf32, #tpu.memory_space<hbm>>
    %dma_wait3A_163 = arith.constant 0 : i32
    %dma_wait3A_164 = tpu.memref_slice %arg6[%dma_wait3A_159, %mul3A_2, %dma_wait3A_163] : memref<50x4096x128xf32, #tpu.memory_space<hbm>> -> memref<1x128x128xf32, #tpu.memory_space<hbm>>
    %dma_wait3A_165 = tpu.memref_squeeze %dma_wait3A_164 : memref<1x128x128xf32, #tpu.memory_space<hbm>> -> memref<128x128xf32, #tpu.memory_space<hbm>>
    tpu.wait_dma2 semaphore(%arg16 : memref<!tpu.dma_semaphore, #tpu.memory_space<semaphore_mem>>) src(%arg14 : memref<128x128xf32, #tpu.memory_space<vmem>>) dst(%dma_wait3A_165 : memref<128x128xf32, #tpu.memory_space<hbm>>)
    %dma_wait3A_166 = arith.constant 48 : i32
    %dma_wait3A_167 = arith.constant 0 : i32
    %dma_wait3A_168 = tpu.memref_slice %arg8[%dma_wait3A_166, %dma_wait3A_167] : memref<50x128xi32, #tpu.memory_space<vmem>> -> memref<1x128xi32, #tpu.memory_space<vmem>>
    %dma_wait3A_169 = tpu.memref_squeeze %dma_wait3A_168 : memref<1x128xi32, #tpu.memory_space<vmem>> -> memref<128xi32, #tpu.memory_space<vmem>>
    %dma_wait3A_170 = arith.constant 0 : i32
    %dma_wait3A_171 = arith.constant 0 : i32
    %dma_wait3A_172 = tpu.memref_slice %arg4[%dma_wait3A_170, %dma_wait3A_171] : memref<100000x128xf32, #tpu.memory_space<hbm>> -> memref<100000x128xf32, #tpu.memory_space<hbm>>
    tpu.wait_indirect_dma semaphore(%arg15 : memref<!tpu.dma_semaphore, #tpu.memory_space<semaphore_mem>>) src(%dma_wait3A_172 : memref<100000x128xf32, #tpu.memory_space<hbm>>) dst(%arg9 : memref<128x128xf32, #tpu.memory_space<vmem>>)
    %dma_start3A_173 = arith.constant 48 : i32
    %dma_start3A_174 = arith.constant 0 : i32
    %dma_start3A_175 = tpu.memref_slice %arg6[%dma_start3A_173, %mul3A_2, %dma_start3A_174] : memref<50x4096x128xf32, #tpu.memory_space<hbm>> -> memref<1x128x128xf32, #tpu.memory_space<hbm>>
    %dma_start3A_176 = tpu.memref_squeeze %dma_start3A_175 : memref<1x128x128xf32, #tpu.memory_space<hbm>> -> memref<128x128xf32, #tpu.memory_space<hbm>>
    %dma_start3A_177 = arith.constant 0 : i32
    %dma_start3A_178 = tpu.memref_slice %arg6[%dma_start3A_173, %mul3A_2, %dma_start3A_177] : memref<50x4096x128xf32, #tpu.memory_space<hbm>> -> memref<1x128x128xf32, #tpu.memory_space<hbm>>
    %dma_start3A_179 = tpu.memref_squeeze %dma_start3A_178 : memref<1x128x128xf32, #tpu.memory_space<hbm>> -> memref<128x128xf32, #tpu.memory_space<hbm>>
    tpu.enqueue_dma source(%arg9 : memref<128x128xf32, #tpu.memory_space<vmem>>) target(%dma_start3A_179 : memref<128x128xf32, #tpu.memory_space<hbm>>) target_semaphore(%arg16 : memref<!tpu.dma_semaphore, #tpu.memory_space<semaphore_mem>>)
    %dma_wait3A_180 = arith.constant 48 : i32
    %dma_wait3A_181 = arith.constant 0 : i32
    %dma_wait3A_182 = tpu.memref_slice %arg6[%dma_wait3A_180, %mul3A_2, %dma_wait3A_181] : memref<50x4096x128xf32, #tpu.memory_space<hbm>> -> memref<1x128x128xf32, #tpu.memory_space<hbm>>
    %dma_wait3A_183 = tpu.memref_squeeze %dma_wait3A_182 : memref<1x128x128xf32, #tpu.memory_space<hbm>> -> memref<128x128xf32, #tpu.memory_space<hbm>>
    %dma_wait3A_184 = arith.constant 0 : i32
    %dma_wait3A_185 = tpu.memref_slice %arg6[%dma_wait3A_180, %mul3A_2, %dma_wait3A_184] : memref<50x4096x128xf32, #tpu.memory_space<hbm>> -> memref<1x128x128xf32, #tpu.memory_space<hbm>>
    %dma_wait3A_186 = tpu.memref_squeeze %dma_wait3A_185 : memref<1x128x128xf32, #tpu.memory_space<hbm>> -> memref<128x128xf32, #tpu.memory_space<hbm>>
    tpu.wait_dma2 semaphore(%arg16 : memref<!tpu.dma_semaphore, #tpu.memory_space<semaphore_mem>>) src(%arg9 : memref<128x128xf32, #tpu.memory_space<vmem>>) dst(%dma_wait3A_186 : memref<128x128xf32, #tpu.memory_space<hbm>>)
    %dma_wait3A_187 = arith.constant 49 : i32
    %dma_wait3A_188 = arith.constant 0 : i32
    %dma_wait3A_189 = tpu.memref_slice %arg8[%dma_wait3A_187, %dma_wait3A_188] : memref<50x128xi32, #tpu.memory_space<vmem>> -> memref<1x128xi32, #tpu.memory_space<vmem>>
    %dma_wait3A_190 = tpu.memref_squeeze %dma_wait3A_189 : memref<1x128xi32, #tpu.memory_space<vmem>> -> memref<128xi32, #tpu.memory_space<vmem>>
    %dma_wait3A_191 = arith.constant 0 : i32
    %dma_wait3A_192 = arith.constant 0 : i32
    %dma_wait3A_193 = tpu.memref_slice %arg4[%dma_wait3A_191, %dma_wait3A_192] : memref<100000x128xf32, #tpu.memory_space<hbm>> -> memref<100000x128xf32, #tpu.memory_space<hbm>>
    tpu.wait_indirect_dma semaphore(%arg15 : memref<!tpu.dma_semaphore, #tpu.memory_space<semaphore_mem>>) src(%dma_wait3A_193 : memref<100000x128xf32, #tpu.memory_space<hbm>>) dst(%arg10 : memref<128x128xf32, #tpu.memory_space<vmem>>)
    %dma_start3A_194 = arith.constant 49 : i32
    %dma_start3A_195 = arith.constant 0 : i32
    %dma_start3A_196 = tpu.memref_slice %arg6[%dma_start3A_194, %mul3A_2, %dma_start3A_195] : memref<50x4096x128xf32, #tpu.memory_space<hbm>> -> memref<1x128x128xf32, #tpu.memory_space<hbm>>
    %dma_start3A_197 = tpu.memref_squeeze %dma_start3A_196 : memref<1x128x128xf32, #tpu.memory_space<hbm>> -> memref<128x128xf32, #tpu.memory_space<hbm>>
    %dma_start3A_198 = arith.constant 0 : i32
    %dma_start3A_199 = tpu.memref_slice %arg6[%dma_start3A_194, %mul3A_2, %dma_start3A_198] : memref<50x4096x128xf32, #tpu.memory_space<hbm>> -> memref<1x128x128xf32, #tpu.memory_space<hbm>>
    %dma_start3A_200 = tpu.memref_squeeze %dma_start3A_199 : memref<1x128x128xf32, #tpu.memory_space<hbm>> -> memref<128x128xf32, #tpu.memory_space<hbm>>
    tpu.enqueue_dma source(%arg10 : memref<128x128xf32, #tpu.memory_space<vmem>>) target(%dma_start3A_200 : memref<128x128xf32, #tpu.memory_space<hbm>>) target_semaphore(%arg16 : memref<!tpu.dma_semaphore, #tpu.memory_space<semaphore_mem>>)
    %dma_wait3A_201 = arith.constant 49 : i32
    %dma_wait3A_202 = arith.constant 0 : i32
    %dma_wait3A_203 = tpu.memref_slice %arg6[%dma_wait3A_201, %mul3A_2, %dma_wait3A_202] : memref<50x4096x128xf32, #tpu.memory_space<hbm>> -> memref<1x128x128xf32, #tpu.memory_space<hbm>>
    %dma_wait3A_204 = tpu.memref_squeeze %dma_wait3A_203 : memref<1x128x128xf32, #tpu.memory_space<hbm>> -> memref<128x128xf32, #tpu.memory_space<hbm>>
    %dma_wait3A_205 = arith.constant 0 : i32
    %dma_wait3A_206 = tpu.memref_slice %arg6[%dma_wait3A_201, %mul3A_2, %dma_wait3A_205] : memref<50x4096x128xf32, #tpu.memory_space<hbm>> -> memref<1x128x128xf32, #tpu.memory_space<hbm>>
    %dma_wait3A_207 = tpu.memref_squeeze %dma_wait3A_206 : memref<1x128x128xf32, #tpu.memory_space<hbm>> -> memref<128x128xf32, #tpu.memory_space<hbm>>
    tpu.wait_dma2 semaphore(%arg16 : memref<!tpu.dma_semaphore, #tpu.memory_space<semaphore_mem>>) src(%arg10 : memref<128x128xf32, #tpu.memory_space<vmem>>) dst(%dma_wait3A_207 : memref<128x128xf32, #tpu.memory_space<hbm>>)
    %dma_wait3A_208 = arith.constant 0 : i32
    %dma_wait3A_209 = arith.constant 0 : i32
    %dma_wait3A_210 = tpu.memref_slice %arg6[%dma_wait3A_208, %mul3A_2, %dma_wait3A_209] : memref<50x4096x128xf32, #tpu.memory_space<hbm>> -> memref<1x128x128xf32, #tpu.memory_space<hbm>>
    %dma_wait3A_211 = tpu.memref_squeeze %dma_wait3A_210 : memref<1x128x128xf32, #tpu.memory_space<hbm>> -> memref<128x128xf32, #tpu.memory_space<hbm>>
    %dma_wait3A_212 = arith.constant 0 : i32
    %dma_wait3A_213 = tpu.memref_slice %arg6[%dma_wait3A_208, %mul3A_2, %dma_wait3A_212] : memref<50x4096x128xf32, #tpu.memory_space<hbm>> -> memref<1x128x128xf32, #tpu.memory_space<hbm>>
    %dma_wait3A_214 = tpu.memref_squeeze %dma_wait3A_213 : memref<1x128x128xf32, #tpu.memory_space<hbm>> -> memref<128x128xf32, #tpu.memory_space<hbm>>
    tpu.wait_dma2 semaphore(%arg16 : memref<!tpu.dma_semaphore, #tpu.memory_space<semaphore_mem>>) src(%arg9 : memref<128x128xf32, #tpu.memory_space<vmem>>) dst(%dma_wait3A_214 : memref<128x128xf32, #tpu.memory_space<hbm>>)
    %dma_wait3A_215 = arith.constant 0 : i32
    %dma_wait3A_216 = arith.constant 0 : i32
    %dma_wait3A_217 = tpu.memref_slice %arg6[%dma_wait3A_215, %mul3A_2, %dma_wait3A_216] : memref<50x4096x128xf32, #tpu.memory_space<hbm>> -> memref<1x128x128xf32, #tpu.memory_space<hbm>>
    %dma_wait3A_218 = tpu.memref_squeeze %dma_wait3A_217 : memref<1x128x128xf32, #tpu.memory_space<hbm>> -> memref<128x128xf32, #tpu.memory_space<hbm>>
    %dma_wait3A_219 = arith.constant 0 : i32
    %dma_wait3A_220 = tpu.memref_slice %arg6[%dma_wait3A_215, %mul3A_2, %dma_wait3A_219] : memref<50x4096x128xf32, #tpu.memory_space<hbm>> -> memref<1x128x128xf32, #tpu.memory_space<hbm>>
    %dma_wait3A_221 = tpu.memref_squeeze %dma_wait3A_220 : memref<1x128x128xf32, #tpu.memory_space<hbm>> -> memref<128x128xf32, #tpu.memory_space<hbm>>
    tpu.wait_dma2 semaphore(%arg16 : memref<!tpu.dma_semaphore, #tpu.memory_space<semaphore_mem>>) src(%arg10 : memref<128x128xf32, #tpu.memory_space<vmem>>) dst(%dma_wait3A_221 : memref<128x128xf32, #tpu.memory_space<hbm>>)
    %dma_wait3A_222 = arith.constant 0 : i32
    %dma_wait3A_223 = arith.constant 0 : i32
    %dma_wait3A_224 = tpu.memref_slice %arg6[%dma_wait3A_222, %mul3A_2, %dma_wait3A_223] : memref<50x4096x128xf32, #tpu.memory_space<hbm>> -> memref<1x128x128xf32, #tpu.memory_space<hbm>>
    %dma_wait3A_225 = tpu.memref_squeeze %dma_wait3A_224 : memref<1x128x128xf32, #tpu.memory_space<hbm>> -> memref<128x128xf32, #tpu.memory_space<hbm>>
    %dma_wait3A_226 = arith.constant 0 : i32
    %dma_wait3A_227 = tpu.memref_slice %arg6[%dma_wait3A_222, %mul3A_2, %dma_wait3A_226] : memref<50x4096x128xf32, #tpu.memory_space<hbm>> -> memref<1x128x128xf32, #tpu.memory_space<hbm>>
    %dma_wait3A_228 = tpu.memref_squeeze %dma_wait3A_227 : memref<1x128x128xf32, #tpu.memory_space<hbm>> -> memref<128x128xf32, #tpu.memory_space<hbm>>
    tpu.wait_dma2 semaphore(%arg16 : memref<!tpu.dma_semaphore, #tpu.memory_space<semaphore_mem>>) src(%arg11 : memref<128x128xf32, #tpu.memory_space<vmem>>) dst(%dma_wait3A_228 : memref<128x128xf32, #tpu.memory_space<hbm>>)
    "tpu.region"() ({
      %run_scoped3A = tpu.sem_alloc : memref<!tpu.dma_semaphore, #tpu.memory_space<semaphore_mem>>
      %dma_start3A_458 = arith.constant 0 : i32
      %dma_start3A_459 = tpu.memref_slice %arg3[%dma_start3A_458, %mul3A_2] : memref<50x4096xi32, #tpu.memory_space<hbm>> -> memref<50x128xi32, #tpu.memory_space<hbm>>
      %dma_start3A_460 = arith.constant 0 : i32
      %dma_start3A_461 = tpu.memref_slice %arg3[%dma_start3A_460, %mul3A_2] : memref<50x4096xi32, #tpu.memory_space<hbm>> -> memref<50x128xi32, #tpu.memory_space<hbm>>
      tpu.enqueue_dma source(%dma_start3A_461 : memref<50x128xi32, #tpu.memory_space<hbm>>) target(%arg8 : memref<50x128xi32, #tpu.memory_space<vmem>>) target_semaphore(%run_scoped3A : memref<!tpu.dma_semaphore, #tpu.memory_space<semaphore_mem>>)
      %dma_wait3A_462 = arith.constant 0 : i32
      %dma_wait3A_463 = tpu.memref_slice %arg3[%dma_wait3A_462, %mul3A_2] : memref<50x4096xi32, #tpu.memory_space<hbm>> -> memref<50x128xi32, #tpu.memory_space<hbm>>
      %dma_wait3A_464 = arith.constant 0 : i32
      %dma_wait3A_465 = tpu.memref_slice %arg3[%dma_wait3A_464, %mul3A_2] : memref<50x4096xi32, #tpu.memory_space<hbm>> -> memref<50x128xi32, #tpu.memory_space<hbm>>
      tpu.wait_dma2 semaphore(%run_scoped3A : memref<!tpu.dma_semaphore, #tpu.memory_space<semaphore_mem>>) src(%dma_wait3A_465 : memref<50x128xi32, #tpu.memory_space<hbm>>) dst(%arg8 : memref<50x128xi32, #tpu.memory_space<vmem>>)
      tpu.yield
    }) : () -> ()
    %dma_start3A_229 = arith.constant 0 : i32
    %dma_start3A_230 = arith.constant 0 : i32
    %dma_start3A_231 = tpu.memref_slice %arg8[%dma_start3A_229, %dma_start3A_230] : memref<50x128xi32, #tpu.memory_space<vmem>> -> memref<1x128xi32, #tpu.memory_space<vmem>>
    %dma_start3A_232 = tpu.memref_squeeze %dma_start3A_231 : memref<1x128xi32, #tpu.memory_space<vmem>> -> memref<128xi32, #tpu.memory_space<vmem>>
    %dma_start3A_233 = arith.constant 0 : i32
    %dma_start3A_234 = arith.constant 0 : i32
    %dma_start3A_235 = tpu.memref_slice %arg5[%dma_start3A_233, %dma_start3A_234] : memref<100000x128xf32, #tpu.memory_space<hbm>> -> memref<100000x128xf32, #tpu.memory_space<hbm>>
    tpu.enqueue_indirect_dma source(%dma_start3A_235 : memref<100000x128xf32, #tpu.memory_space<hbm>>) target(%arg9 : memref<128x128xf32, #tpu.memory_space<vmem>>) offsets(%dma_start3A_232 : memref<128xi32, #tpu.memory_space<vmem>>) semaphore(%arg15 : memref<!tpu.dma_semaphore, #tpu.memory_space<semaphore_mem>>)
    %dma_start3A_236 = arith.constant 1 : i32
    %dma_start3A_237 = arith.constant 0 : i32
    %dma_start3A_238 = tpu.memref_slice %arg8[%dma_start3A_236, %dma_start3A_237] : memref<50x128xi32, #tpu.memory_space<vmem>> -> memref<1x128xi32, #tpu.memory_space<vmem>>
    %dma_start3A_239 = tpu.memref_squeeze %dma_start3A_238 : memref<1x128xi32, #tpu.memory_space<vmem>> -> memref<128xi32, #tpu.memory_space<vmem>>
    %dma_start3A_240 = arith.constant 0 : i32
    %dma_start3A_241 = arith.constant 0 : i32
    %dma_start3A_242 = tpu.memref_slice %arg5[%dma_start3A_240, %dma_start3A_241] : memref<100000x128xf32, #tpu.memory_space<hbm>> -> memref<100000x128xf32, #tpu.memory_space<hbm>>
    tpu.enqueue_indirect_dma source(%dma_start3A_242 : memref<100000x128xf32, #tpu.memory_space<hbm>>) target(%arg10 : memref<128x128xf32, #tpu.memory_space<vmem>>) offsets(%dma_start3A_239 : memref<128xi32, #tpu.memory_space<vmem>>) semaphore(%arg15 : memref<!tpu.dma_semaphore, #tpu.memory_space<semaphore_mem>>)
    %dma_start3A_243 = arith.constant 2 : i32
    %dma_start3A_244 = arith.constant 0 : i32
    %dma_start3A_245 = tpu.memref_slice %arg8[%dma_start3A_243, %dma_start3A_244] : memref<50x128xi32, #tpu.memory_space<vmem>> -> memref<1x128xi32, #tpu.memory_space<vmem>>
    %dma_start3A_246 = tpu.memref_squeeze %dma_start3A_245 : memref<1x128xi32, #tpu.memory_space<vmem>> -> memref<128xi32, #tpu.memory_space<vmem>>
    %dma_start3A_247 = arith.constant 0 : i32
    %dma_start3A_248 = arith.constant 0 : i32
    %dma_start3A_249 = tpu.memref_slice %arg5[%dma_start3A_247, %dma_start3A_248] : memref<100000x128xf32, #tpu.memory_space<hbm>> -> memref<100000x128xf32, #tpu.memory_space<hbm>>
    tpu.enqueue_indirect_dma source(%dma_start3A_249 : memref<100000x128xf32, #tpu.memory_space<hbm>>) target(%arg11 : memref<128x128xf32, #tpu.memory_space<vmem>>) offsets(%dma_start3A_246 : memref<128xi32, #tpu.memory_space<vmem>>) semaphore(%arg15 : memref<!tpu.dma_semaphore, #tpu.memory_space<semaphore_mem>>)
    %dma_wait3A_250 = arith.constant 0 : i32
    %dma_wait3A_251 = arith.constant 0 : i32
    %dma_wait3A_252 = tpu.memref_slice %arg8[%dma_wait3A_250, %dma_wait3A_251] : memref<50x128xi32, #tpu.memory_space<vmem>> -> memref<1x128xi32, #tpu.memory_space<vmem>>
    %dma_wait3A_253 = tpu.memref_squeeze %dma_wait3A_252 : memref<1x128xi32, #tpu.memory_space<vmem>> -> memref<128xi32, #tpu.memory_space<vmem>>
    %dma_wait3A_254 = arith.constant 0 : i32
    %dma_wait3A_255 = arith.constant 0 : i32
    %dma_wait3A_256 = tpu.memref_slice %arg5[%dma_wait3A_254, %dma_wait3A_255] : memref<100000x128xf32, #tpu.memory_space<hbm>> -> memref<100000x128xf32, #tpu.memory_space<hbm>>
    tpu.wait_indirect_dma semaphore(%arg15 : memref<!tpu.dma_semaphore, #tpu.memory_space<semaphore_mem>>) src(%dma_wait3A_256 : memref<100000x128xf32, #tpu.memory_space<hbm>>) dst(%arg9 : memref<128x128xf32, #tpu.memory_space<vmem>>)
    %dma_start3A_257 = arith.constant 0 : i32
    %dma_start3A_258 = arith.constant 0 : i32
    %dma_start3A_259 = tpu.memref_slice %arg7[%dma_start3A_257, %mul3A_2, %dma_start3A_258] : memref<50x4096x128xf32, #tpu.memory_space<hbm>> -> memref<1x128x128xf32, #tpu.memory_space<hbm>>
    %dma_start3A_260 = tpu.memref_squeeze %dma_start3A_259 : memref<1x128x128xf32, #tpu.memory_space<hbm>> -> memref<128x128xf32, #tpu.memory_space<hbm>>
    %dma_start3A_261 = arith.constant 0 : i32
    %dma_start3A_262 = tpu.memref_slice %arg7[%dma_start3A_257, %mul3A_2, %dma_start3A_261] : memref<50x4096x128xf32, #tpu.memory_space<hbm>> -> memref<1x128x128xf32, #tpu.memory_space<hbm>>
    %dma_start3A_263 = tpu.memref_squeeze %dma_start3A_262 : memref<1x128x128xf32, #tpu.memory_space<hbm>> -> memref<128x128xf32, #tpu.memory_space<hbm>>
    tpu.enqueue_dma source(%arg9 : memref<128x128xf32, #tpu.memory_space<vmem>>) target(%dma_start3A_263 : memref<128x128xf32, #tpu.memory_space<hbm>>) target_semaphore(%arg16 : memref<!tpu.dma_semaphore, #tpu.memory_space<semaphore_mem>>)
    %dma_start3A_264 = arith.constant 3 : i32
    %dma_start3A_265 = arith.constant 0 : i32
    %dma_start3A_266 = tpu.memref_slice %arg8[%dma_start3A_264, %dma_start3A_265] : memref<50x128xi32, #tpu.memory_space<vmem>> -> memref<1x128xi32, #tpu.memory_space<vmem>>
    %dma_start3A_267 = tpu.memref_squeeze %dma_start3A_266 : memref<1x128xi32, #tpu.memory_space<vmem>> -> memref<128xi32, #tpu.memory_space<vmem>>
    %dma_start3A_268 = arith.constant 0 : i32
    %dma_start3A_269 = arith.constant 0 : i32
    %dma_start3A_270 = tpu.memref_slice %arg5[%dma_start3A_268, %dma_start3A_269] : memref<100000x128xf32, #tpu.memory_space<hbm>> -> memref<100000x128xf32, #tpu.memory_space<hbm>>
    tpu.enqueue_indirect_dma source(%dma_start3A_270 : memref<100000x128xf32, #tpu.memory_space<hbm>>) target(%arg12 : memref<128x128xf32, #tpu.memory_space<vmem>>) offsets(%dma_start3A_267 : memref<128xi32, #tpu.memory_space<vmem>>) semaphore(%arg15 : memref<!tpu.dma_semaphore, #tpu.memory_space<semaphore_mem>>)
    %dma_wait3A_271 = arith.constant 1 : i32
    %dma_wait3A_272 = arith.constant 0 : i32
    %dma_wait3A_273 = tpu.memref_slice %arg8[%dma_wait3A_271, %dma_wait3A_272] : memref<50x128xi32, #tpu.memory_space<vmem>> -> memref<1x128xi32, #tpu.memory_space<vmem>>
    %dma_wait3A_274 = tpu.memref_squeeze %dma_wait3A_273 : memref<1x128xi32, #tpu.memory_space<vmem>> -> memref<128xi32, #tpu.memory_space<vmem>>
    %dma_wait3A_275 = arith.constant 0 : i32
    %dma_wait3A_276 = arith.constant 0 : i32
    %dma_wait3A_277 = tpu.memref_slice %arg5[%dma_wait3A_275, %dma_wait3A_276] : memref<100000x128xf32, #tpu.memory_space<hbm>> -> memref<100000x128xf32, #tpu.memory_space<hbm>>
    tpu.wait_indirect_dma semaphore(%arg15 : memref<!tpu.dma_semaphore, #tpu.memory_space<semaphore_mem>>) src(%dma_wait3A_277 : memref<100000x128xf32, #tpu.memory_space<hbm>>) dst(%arg10 : memref<128x128xf32, #tpu.memory_space<vmem>>)
    %dma_start3A_278 = arith.constant 1 : i32
    %dma_start3A_279 = arith.constant 0 : i32
    %dma_start3A_280 = tpu.memref_slice %arg7[%dma_start3A_278, %mul3A_2, %dma_start3A_279] : memref<50x4096x128xf32, #tpu.memory_space<hbm>> -> memref<1x128x128xf32, #tpu.memory_space<hbm>>
    %dma_start3A_281 = tpu.memref_squeeze %dma_start3A_280 : memref<1x128x128xf32, #tpu.memory_space<hbm>> -> memref<128x128xf32, #tpu.memory_space<hbm>>
    %dma_start3A_282 = arith.constant 0 : i32
    %dma_start3A_283 = tpu.memref_slice %arg7[%dma_start3A_278, %mul3A_2, %dma_start3A_282] : memref<50x4096x128xf32, #tpu.memory_space<hbm>> -> memref<1x128x128xf32, #tpu.memory_space<hbm>>
    %dma_start3A_284 = tpu.memref_squeeze %dma_start3A_283 : memref<1x128x128xf32, #tpu.memory_space<hbm>> -> memref<128x128xf32, #tpu.memory_space<hbm>>
    tpu.enqueue_dma source(%arg10 : memref<128x128xf32, #tpu.memory_space<vmem>>) target(%dma_start3A_284 : memref<128x128xf32, #tpu.memory_space<hbm>>) target_semaphore(%arg16 : memref<!tpu.dma_semaphore, #tpu.memory_space<semaphore_mem>>)
    %dma_start3A_285 = arith.constant 4 : i32
    %dma_start3A_286 = arith.constant 0 : i32
    %dma_start3A_287 = tpu.memref_slice %arg8[%dma_start3A_285, %dma_start3A_286] : memref<50x128xi32, #tpu.memory_space<vmem>> -> memref<1x128xi32, #tpu.memory_space<vmem>>
    %dma_start3A_288 = tpu.memref_squeeze %dma_start3A_287 : memref<1x128xi32, #tpu.memory_space<vmem>> -> memref<128xi32, #tpu.memory_space<vmem>>
    %dma_start3A_289 = arith.constant 0 : i32
    %dma_start3A_290 = arith.constant 0 : i32
    %dma_start3A_291 = tpu.memref_slice %arg5[%dma_start3A_289, %dma_start3A_290] : memref<100000x128xf32, #tpu.memory_space<hbm>> -> memref<100000x128xf32, #tpu.memory_space<hbm>>
    tpu.enqueue_indirect_dma source(%dma_start3A_291 : memref<100000x128xf32, #tpu.memory_space<hbm>>) target(%arg13 : memref<128x128xf32, #tpu.memory_space<vmem>>) offsets(%dma_start3A_288 : memref<128xi32, #tpu.memory_space<vmem>>) semaphore(%arg15 : memref<!tpu.dma_semaphore, #tpu.memory_space<semaphore_mem>>)
    %dma_wait3A_292 = arith.constant 2 : i32
    %dma_wait3A_293 = arith.constant 0 : i32
    %dma_wait3A_294 = tpu.memref_slice %arg8[%dma_wait3A_292, %dma_wait3A_293] : memref<50x128xi32, #tpu.memory_space<vmem>> -> memref<1x128xi32, #tpu.memory_space<vmem>>
    %dma_wait3A_295 = tpu.memref_squeeze %dma_wait3A_294 : memref<1x128xi32, #tpu.memory_space<vmem>> -> memref<128xi32, #tpu.memory_space<vmem>>
    %dma_wait3A_296 = arith.constant 0 : i32
    %dma_wait3A_297 = arith.constant 0 : i32
    %dma_wait3A_298 = tpu.memref_slice %arg5[%dma_wait3A_296, %dma_wait3A_297] : memref<100000x128xf32, #tpu.memory_space<hbm>> -> memref<100000x128xf32, #tpu.memory_space<hbm>>
    tpu.wait_indirect_dma semaphore(%arg15 : memref<!tpu.dma_semaphore, #tpu.memory_space<semaphore_mem>>) src(%dma_wait3A_298 : memref<100000x128xf32, #tpu.memory_space<hbm>>) dst(%arg11 : memref<128x128xf32, #tpu.memory_space<vmem>>)
    %dma_start3A_299 = arith.constant 2 : i32
    %dma_start3A_300 = arith.constant 0 : i32
    %dma_start3A_301 = tpu.memref_slice %arg7[%dma_start3A_299, %mul3A_2, %dma_start3A_300] : memref<50x4096x128xf32, #tpu.memory_space<hbm>> -> memref<1x128x128xf32, #tpu.memory_space<hbm>>
    %dma_start3A_302 = tpu.memref_squeeze %dma_start3A_301 : memref<1x128x128xf32, #tpu.memory_space<hbm>> -> memref<128x128xf32, #tpu.memory_space<hbm>>
    %dma_start3A_303 = arith.constant 0 : i32
    %dma_start3A_304 = tpu.memref_slice %arg7[%dma_start3A_299, %mul3A_2, %dma_start3A_303] : memref<50x4096x128xf32, #tpu.memory_space<hbm>> -> memref<1x128x128xf32, #tpu.memory_space<hbm>>
    %dma_start3A_305 = tpu.memref_squeeze %dma_start3A_304 : memref<1x128x128xf32, #tpu.memory_space<hbm>> -> memref<128x128xf32, #tpu.memory_space<hbm>>
    tpu.enqueue_dma source(%arg11 : memref<128x128xf32, #tpu.memory_space<vmem>>) target(%dma_start3A_305 : memref<128x128xf32, #tpu.memory_space<hbm>>) target_semaphore(%arg16 : memref<!tpu.dma_semaphore, #tpu.memory_space<semaphore_mem>>)
    %dma_start3A_306 = arith.constant 5 : i32
    %dma_start3A_307 = arith.constant 0 : i32
    %dma_start3A_308 = tpu.memref_slice %arg8[%dma_start3A_306, %dma_start3A_307] : memref<50x128xi32, #tpu.memory_space<vmem>> -> memref<1x128xi32, #tpu.memory_space<vmem>>
    %dma_start3A_309 = tpu.memref_squeeze %dma_start3A_308 : memref<1x128xi32, #tpu.memory_space<vmem>> -> memref<128xi32, #tpu.memory_space<vmem>>
    %dma_start3A_310 = arith.constant 0 : i32
    %dma_start3A_311 = arith.constant 0 : i32
    %dma_start3A_312 = tpu.memref_slice %arg5[%dma_start3A_310, %dma_start3A_311] : memref<100000x128xf32, #tpu.memory_space<hbm>> -> memref<100000x128xf32, #tpu.memory_space<hbm>>
    tpu.enqueue_indirect_dma source(%dma_start3A_312 : memref<100000x128xf32, #tpu.memory_space<hbm>>) target(%arg14 : memref<128x128xf32, #tpu.memory_space<vmem>>) offsets(%dma_start3A_309 : memref<128xi32, #tpu.memory_space<vmem>>) semaphore(%arg15 : memref<!tpu.dma_semaphore, #tpu.memory_space<semaphore_mem>>)
    %scan3A_313 = arith.constant 0 : i32
    %scan3A_314 = arith.constant 7 : i32
    %scan3A_315 = arith.addi %scan3A_313, %scan3A_314 : i32
    %scan3A_316 = arith.constant 1 : i32
    scf.for %scan3A_458 = %scan3A_313 to %scan3A_315 step %scan3A_316  : i32 {
      %mul3A_459 = arith.constant 6 : i32
      %mul3A_460 = arith.muli %scan3A_458, %mul3A_459 : i32
      %add3A_461 = arith.constant 3 : i32
      %add3A_462 = arith.addi %add3A_461, %mul3A_460 : i32
      %add3A_463 = arith.constant 0 : i32
      %add3A_464 = arith.addi %add3A_462, %add3A_463 : i32
      %dma_wait3A_465 = arith.constant 0 : i32
      %dma_wait3A_466 = tpu.memref_slice %arg8[%add3A_464, %dma_wait3A_465] : memref<50x128xi32, #tpu.memory_space<vmem>> -> memref<1x128xi32, #tpu.memory_space<vmem>>
      %dma_wait3A_467 = tpu.memref_squeeze %dma_wait3A_466 : memref<1x128xi32, #tpu.memory_space<vmem>> -> memref<128xi32, #tpu.memory_space<vmem>>
      %dma_wait3A_468 = arith.constant 0 : i32
      %dma_wait3A_469 = arith.constant 0 : i32
      %dma_wait3A_470 = tpu.memref_slice %arg5[%dma_wait3A_468, %dma_wait3A_469] : memref<100000x128xf32, #tpu.memory_space<hbm>> -> memref<100000x128xf32, #tpu.memory_space<hbm>>
      tpu.wait_indirect_dma semaphore(%arg15 : memref<!tpu.dma_semaphore, #tpu.memory_space<semaphore_mem>>) src(%dma_wait3A_470 : memref<100000x128xf32, #tpu.memory_space<hbm>>) dst(%arg12 : memref<128x128xf32, #tpu.memory_space<vmem>>)
      %dma_start3A_471 = arith.constant 0 : i32
      %dma_start3A_472 = tpu.memref_slice %arg7[%add3A_464, %mul3A_2, %dma_start3A_471] : memref<50x4096x128xf32, #tpu.memory_space<hbm>> -> memref<1x128x128xf32, #tpu.memory_space<hbm>>
      %dma_start3A_473 = tpu.memref_squeeze %dma_start3A_472 : memref<1x128x128xf32, #tpu.memory_space<hbm>> -> memref<128x128xf32, #tpu.memory_space<hbm>>
      %dma_start3A_474 = arith.constant 0 : i32
      %dma_start3A_475 = tpu.memref_slice %arg7[%add3A_464, %mul3A_2, %dma_start3A_474] : memref<50x4096x128xf32, #tpu.memory_space<hbm>> -> memref<1x128x128xf32, #tpu.memory_space<hbm>>
      %dma_start3A_476 = tpu.memref_squeeze %dma_start3A_475 : memref<1x128x128xf32, #tpu.memory_space<hbm>> -> memref<128x128xf32, #tpu.memory_space<hbm>>
      tpu.enqueue_dma source(%arg12 : memref<128x128xf32, #tpu.memory_space<vmem>>) target(%dma_start3A_476 : memref<128x128xf32, #tpu.memory_space<hbm>>) target_semaphore(%arg16 : memref<!tpu.dma_semaphore, #tpu.memory_space<semaphore_mem>>)
      %dma_wait3A_477 = arith.constant 0 : i32
      %dma_wait3A_478 = tpu.memref_slice %arg7[%add3A_464, %mul3A_2, %dma_wait3A_477] : memref<50x4096x128xf32, #tpu.memory_space<hbm>> -> memref<1x128x128xf32, #tpu.memory_space<hbm>>
      %dma_wait3A_479 = tpu.memref_squeeze %dma_wait3A_478 : memref<1x128x128xf32, #tpu.memory_space<hbm>> -> memref<128x128xf32, #tpu.memory_space<hbm>>
      %dma_wait3A_480 = arith.constant 0 : i32
      %dma_wait3A_481 = tpu.memref_slice %arg7[%add3A_464, %mul3A_2, %dma_wait3A_480] : memref<50x4096x128xf32, #tpu.memory_space<hbm>> -> memref<1x128x128xf32, #tpu.memory_space<hbm>>
      %dma_wait3A_482 = tpu.memref_squeeze %dma_wait3A_481 : memref<1x128x128xf32, #tpu.memory_space<hbm>> -> memref<128x128xf32, #tpu.memory_space<hbm>>
      tpu.wait_dma2 semaphore(%arg16 : memref<!tpu.dma_semaphore, #tpu.memory_space<semaphore_mem>>) src(%arg12 : memref<128x128xf32, #tpu.memory_space<vmem>>) dst(%dma_wait3A_482 : memref<128x128xf32, #tpu.memory_space<hbm>>)
      %add3A_483 = arith.constant 3 : i32
      %add3A_484 = arith.addi %add3A_464, %add3A_483 : i32
      %dma_start3A_485 = arith.constant 0 : i32
      %dma_start3A_486 = tpu.memref_slice %arg8[%add3A_484, %dma_start3A_485] : memref<50x128xi32, #tpu.memory_space<vmem>> -> memref<1x128xi32, #tpu.memory_space<vmem>>
      %dma_start3A_487 = tpu.memref_squeeze %dma_start3A_486 : memref<1x128xi32, #tpu.memory_space<vmem>> -> memref<128xi32, #tpu.memory_space<vmem>>
      %dma_start3A_488 = arith.constant 0 : i32
      %dma_start3A_489 = arith.constant 0 : i32
      %dma_start3A_490 = tpu.memref_slice %arg5[%dma_start3A_488, %dma_start3A_489] : memref<100000x128xf32, #tpu.memory_space<hbm>> -> memref<100000x128xf32, #tpu.memory_space<hbm>>
      tpu.enqueue_indirect_dma source(%dma_start3A_490 : memref<100000x128xf32, #tpu.memory_space<hbm>>) target(%arg9 : memref<128x128xf32, #tpu.memory_space<vmem>>) offsets(%dma_start3A_487 : memref<128xi32, #tpu.memory_space<vmem>>) semaphore(%arg15 : memref<!tpu.dma_semaphore, #tpu.memory_space<semaphore_mem>>)
      %add3A_491 = arith.constant 1 : i32
      %add3A_492 = arith.addi %add3A_462, %add3A_491 : i32
      %dma_wait3A_493 = arith.constant 0 : i32
      %dma_wait3A_494 = tpu.memref_slice %arg8[%add3A_492, %dma_wait3A_493] : memref<50x128xi32, #tpu.memory_space<vmem>> -> memref<1x128xi32, #tpu.memory_space<vmem>>
      %dma_wait3A_495 = tpu.memref_squeeze %dma_wait3A_494 : memref<1x128xi32, #tpu.memory_space<vmem>> -> memref<128xi32, #tpu.memory_space<vmem>>
      %dma_wait3A_496 = arith.constant 0 : i32
      %dma_wait3A_497 = arith.constant 0 : i32
      %dma_wait3A_498 = tpu.memref_slice %arg5[%dma_wait3A_496, %dma_wait3A_497] : memref<100000x128xf32, #tpu.memory_space<hbm>> -> memref<100000x128xf32, #tpu.memory_space<hbm>>
      tpu.wait_indirect_dma semaphore(%arg15 : memref<!tpu.dma_semaphore, #tpu.memory_space<semaphore_mem>>) src(%dma_wait3A_498 : memref<100000x128xf32, #tpu.memory_space<hbm>>) dst(%arg13 : memref<128x128xf32, #tpu.memory_space<vmem>>)
      %dma_start3A_499 = arith.constant 0 : i32
      %dma_start3A_500 = tpu.memref_slice %arg7[%add3A_492, %mul3A_2, %dma_start3A_499] : memref<50x4096x128xf32, #tpu.memory_space<hbm>> -> memref<1x128x128xf32, #tpu.memory_space<hbm>>
      %dma_start3A_501 = tpu.memref_squeeze %dma_start3A_500 : memref<1x128x128xf32, #tpu.memory_space<hbm>> -> memref<128x128xf32, #tpu.memory_space<hbm>>
      %dma_start3A_502 = arith.constant 0 : i32
      %dma_start3A_503 = tpu.memref_slice %arg7[%add3A_492, %mul3A_2, %dma_start3A_502] : memref<50x4096x128xf32, #tpu.memory_space<hbm>> -> memref<1x128x128xf32, #tpu.memory_space<hbm>>
      %dma_start3A_504 = tpu.memref_squeeze %dma_start3A_503 : memref<1x128x128xf32, #tpu.memory_space<hbm>> -> memref<128x128xf32, #tpu.memory_space<hbm>>
      tpu.enqueue_dma source(%arg13 : memref<128x128xf32, #tpu.memory_space<vmem>>) target(%dma_start3A_504 : memref<128x128xf32, #tpu.memory_space<hbm>>) target_semaphore(%arg16 : memref<!tpu.dma_semaphore, #tpu.memory_space<semaphore_mem>>)
      %dma_wait3A_505 = arith.constant 0 : i32
      %dma_wait3A_506 = tpu.memref_slice %arg7[%add3A_492, %mul3A_2, %dma_wait3A_505] : memref<50x4096x128xf32, #tpu.memory_space<hbm>> -> memref<1x128x128xf32, #tpu.memory_space<hbm>>
      %dma_wait3A_507 = tpu.memref_squeeze %dma_wait3A_506 : memref<1x128x128xf32, #tpu.memory_space<hbm>> -> memref<128x128xf32, #tpu.memory_space<hbm>>
      %dma_wait3A_508 = arith.constant 0 : i32
      %dma_wait3A_509 = tpu.memref_slice %arg7[%add3A_492, %mul3A_2, %dma_wait3A_508] : memref<50x4096x128xf32, #tpu.memory_space<hbm>> -> memref<1x128x128xf32, #tpu.memory_space<hbm>>
      %dma_wait3A_510 = tpu.memref_squeeze %dma_wait3A_509 : memref<1x128x128xf32, #tpu.memory_space<hbm>> -> memref<128x128xf32, #tpu.memory_space<hbm>>
      tpu.wait_dma2 semaphore(%arg16 : memref<!tpu.dma_semaphore, #tpu.memory_space<semaphore_mem>>) src(%arg13 : memref<128x128xf32, #tpu.memory_space<vmem>>) dst(%dma_wait3A_510 : memref<128x128xf32, #tpu.memory_space<hbm>>)
      %add3A_511 = arith.constant 3 : i32
      %add3A_512 = arith.addi %add3A_492, %add3A_511 : i32
      %dma_start3A_513 = arith.constant 0 : i32
      %dma_start3A_514 = tpu.memref_slice %arg8[%add3A_512, %dma_start3A_513] : memref<50x128xi32, #tpu.memory_space<vmem>> -> memref<1x128xi32, #tpu.memory_space<vmem>>
      %dma_start3A_515 = tpu.memref_squeeze %dma_start3A_514 : memref<1x128xi32, #tpu.memory_space<vmem>> -> memref<128xi32, #tpu.memory_space<vmem>>
      %dma_start3A_516 = arith.constant 0 : i32
      %dma_start3A_517 = arith.constant 0 : i32
      %dma_start3A_518 = tpu.memref_slice %arg5[%dma_start3A_516, %dma_start3A_517] : memref<100000x128xf32, #tpu.memory_space<hbm>> -> memref<100000x128xf32, #tpu.memory_space<hbm>>
      tpu.enqueue_indirect_dma source(%dma_start3A_518 : memref<100000x128xf32, #tpu.memory_space<hbm>>) target(%arg10 : memref<128x128xf32, #tpu.memory_space<vmem>>) offsets(%dma_start3A_515 : memref<128xi32, #tpu.memory_space<vmem>>) semaphore(%arg15 : memref<!tpu.dma_semaphore, #tpu.memory_space<semaphore_mem>>)
      %add3A_519 = arith.constant 2 : i32
      %add3A_520 = arith.addi %add3A_462, %add3A_519 : i32
      %dma_wait3A_521 = arith.constant 0 : i32
      %dma_wait3A_522 = tpu.memref_slice %arg8[%add3A_520, %dma_wait3A_521] : memref<50x128xi32, #tpu.memory_space<vmem>> -> memref<1x128xi32, #tpu.memory_space<vmem>>
      %dma_wait3A_523 = tpu.memref_squeeze %dma_wait3A_522 : memref<1x128xi32, #tpu.memory_space<vmem>> -> memref<128xi32, #tpu.memory_space<vmem>>
      %dma_wait3A_524 = arith.constant 0 : i32
      %dma_wait3A_525 = arith.constant 0 : i32
      %dma_wait3A_526 = tpu.memref_slice %arg5[%dma_wait3A_524, %dma_wait3A_525] : memref<100000x128xf32, #tpu.memory_space<hbm>> -> memref<100000x128xf32, #tpu.memory_space<hbm>>
      tpu.wait_indirect_dma semaphore(%arg15 : memref<!tpu.dma_semaphore, #tpu.memory_space<semaphore_mem>>) src(%dma_wait3A_526 : memref<100000x128xf32, #tpu.memory_space<hbm>>) dst(%arg14 : memref<128x128xf32, #tpu.memory_space<vmem>>)
      %dma_start3A_527 = arith.constant 0 : i32
      %dma_start3A_528 = tpu.memref_slice %arg7[%add3A_520, %mul3A_2, %dma_start3A_527] : memref<50x4096x128xf32, #tpu.memory_space<hbm>> -> memref<1x128x128xf32, #tpu.memory_space<hbm>>
      %dma_start3A_529 = tpu.memref_squeeze %dma_start3A_528 : memref<1x128x128xf32, #tpu.memory_space<hbm>> -> memref<128x128xf32, #tpu.memory_space<hbm>>
      %dma_start3A_530 = arith.constant 0 : i32
      %dma_start3A_531 = tpu.memref_slice %arg7[%add3A_520, %mul3A_2, %dma_start3A_530] : memref<50x4096x128xf32, #tpu.memory_space<hbm>> -> memref<1x128x128xf32, #tpu.memory_space<hbm>>
      %dma_start3A_532 = tpu.memref_squeeze %dma_start3A_531 : memref<1x128x128xf32, #tpu.memory_space<hbm>> -> memref<128x128xf32, #tpu.memory_space<hbm>>
      tpu.enqueue_dma source(%arg14 : memref<128x128xf32, #tpu.memory_space<vmem>>) target(%dma_start3A_532 : memref<128x128xf32, #tpu.memory_space<hbm>>) target_semaphore(%arg16 : memref<!tpu.dma_semaphore, #tpu.memory_space<semaphore_mem>>)
      %dma_wait3A_533 = arith.constant 0 : i32
      %dma_wait3A_534 = tpu.memref_slice %arg7[%add3A_520, %mul3A_2, %dma_wait3A_533] : memref<50x4096x128xf32, #tpu.memory_space<hbm>> -> memref<1x128x128xf32, #tpu.memory_space<hbm>>
      %dma_wait3A_535 = tpu.memref_squeeze %dma_wait3A_534 : memref<1x128x128xf32, #tpu.memory_space<hbm>> -> memref<128x128xf32, #tpu.memory_space<hbm>>
      %dma_wait3A_536 = arith.constant 0 : i32
      %dma_wait3A_537 = tpu.memref_slice %arg7[%add3A_520, %mul3A_2, %dma_wait3A_536] : memref<50x4096x128xf32, #tpu.memory_space<hbm>> -> memref<1x128x128xf32, #tpu.memory_space<hbm>>
      %dma_wait3A_538 = tpu.memref_squeeze %dma_wait3A_537 : memref<1x128x128xf32, #tpu.memory_space<hbm>> -> memref<128x128xf32, #tpu.memory_space<hbm>>
      tpu.wait_dma2 semaphore(%arg16 : memref<!tpu.dma_semaphore, #tpu.memory_space<semaphore_mem>>) src(%arg14 : memref<128x128xf32, #tpu.memory_space<vmem>>) dst(%dma_wait3A_538 : memref<128x128xf32, #tpu.memory_space<hbm>>)
      %add3A_539 = arith.constant 3 : i32
      %add3A_540 = arith.addi %add3A_520, %add3A_539 : i32
      %dma_start3A_541 = arith.constant 0 : i32
      %dma_start3A_542 = tpu.memref_slice %arg8[%add3A_540, %dma_start3A_541] : memref<50x128xi32, #tpu.memory_space<vmem>> -> memref<1x128xi32, #tpu.memory_space<vmem>>
      %dma_start3A_543 = tpu.memref_squeeze %dma_start3A_542 : memref<1x128xi32, #tpu.memory_space<vmem>> -> memref<128xi32, #tpu.memory_space<vmem>>
      %dma_start3A_544 = arith.constant 0 : i32
      %dma_start3A_545 = arith.constant 0 : i32
      %dma_start3A_546 = tpu.memref_slice %arg5[%dma_start3A_544, %dma_start3A_545] : memref<100000x128xf32, #tpu.memory_space<hbm>> -> memref<100000x128xf32, #tpu.memory_space<hbm>>
      tpu.enqueue_indirect_dma source(%dma_start3A_546 : memref<100000x128xf32, #tpu.memory_space<hbm>>) target(%arg11 : memref<128x128xf32, #tpu.memory_space<vmem>>) offsets(%dma_start3A_543 : memref<128xi32, #tpu.memory_space<vmem>>) semaphore(%arg15 : memref<!tpu.dma_semaphore, #tpu.memory_space<semaphore_mem>>)
      %add3A_547 = arith.constant 3 : i32
      %add3A_548 = arith.addi %add3A_462, %add3A_547 : i32
      %dma_wait3A_549 = arith.constant 0 : i32
      %dma_wait3A_550 = tpu.memref_slice %arg8[%add3A_548, %dma_wait3A_549] : memref<50x128xi32, #tpu.memory_space<vmem>> -> memref<1x128xi32, #tpu.memory_space<vmem>>
      %dma_wait3A_551 = tpu.memref_squeeze %dma_wait3A_550 : memref<1x128xi32, #tpu.memory_space<vmem>> -> memref<128xi32, #tpu.memory_space<vmem>>
      %dma_wait3A_552 = arith.constant 0 : i32
      %dma_wait3A_553 = arith.constant 0 : i32
      %dma_wait3A_554 = tpu.memref_slice %arg5[%dma_wait3A_552, %dma_wait3A_553] : memref<100000x128xf32, #tpu.memory_space<hbm>> -> memref<100000x128xf32, #tpu.memory_space<hbm>>
      tpu.wait_indirect_dma semaphore(%arg15 : memref<!tpu.dma_semaphore, #tpu.memory_space<semaphore_mem>>) src(%dma_wait3A_554 : memref<100000x128xf32, #tpu.memory_space<hbm>>) dst(%arg9 : memref<128x128xf32, #tpu.memory_space<vmem>>)
      %dma_start3A_555 = arith.constant 0 : i32
      %dma_start3A_556 = tpu.memref_slice %arg7[%add3A_548, %mul3A_2, %dma_start3A_555] : memref<50x4096x128xf32, #tpu.memory_space<hbm>> -> memref<1x128x128xf32, #tpu.memory_space<hbm>>
      %dma_start3A_557 = tpu.memref_squeeze %dma_start3A_556 : memref<1x128x128xf32, #tpu.memory_space<hbm>> -> memref<128x128xf32, #tpu.memory_space<hbm>>
      %dma_start3A_558 = arith.constant 0 : i32
      %dma_start3A_559 = tpu.memref_slice %arg7[%add3A_548, %mul3A_2, %dma_start3A_558] : memref<50x4096x128xf32, #tpu.memory_space<hbm>> -> memref<1x128x128xf32, #tpu.memory_space<hbm>>
      %dma_start3A_560 = tpu.memref_squeeze %dma_start3A_559 : memref<1x128x128xf32, #tpu.memory_space<hbm>> -> memref<128x128xf32, #tpu.memory_space<hbm>>
      tpu.enqueue_dma source(%arg9 : memref<128x128xf32, #tpu.memory_space<vmem>>) target(%dma_start3A_560 : memref<128x128xf32, #tpu.memory_space<hbm>>) target_semaphore(%arg16 : memref<!tpu.dma_semaphore, #tpu.memory_space<semaphore_mem>>)
      %dma_wait3A_561 = arith.constant 0 : i32
      %dma_wait3A_562 = tpu.memref_slice %arg7[%add3A_548, %mul3A_2, %dma_wait3A_561] : memref<50x4096x128xf32, #tpu.memory_space<hbm>> -> memref<1x128x128xf32, #tpu.memory_space<hbm>>
      %dma_wait3A_563 = tpu.memref_squeeze %dma_wait3A_562 : memref<1x128x128xf32, #tpu.memory_space<hbm>> -> memref<128x128xf32, #tpu.memory_space<hbm>>
      %dma_wait3A_564 = arith.constant 0 : i32
      %dma_wait3A_565 = tpu.memref_slice %arg7[%add3A_548, %mul3A_2, %dma_wait3A_564] : memref<50x4096x128xf32, #tpu.memory_space<hbm>> -> memref<1x128x128xf32, #tpu.memory_space<hbm>>
      %dma_wait3A_566 = tpu.memref_squeeze %dma_wait3A_565 : memref<1x128x128xf32, #tpu.memory_space<hbm>> -> memref<128x128xf32, #tpu.memory_space<hbm>>
      tpu.wait_dma2 semaphore(%arg16 : memref<!tpu.dma_semaphore, #tpu.memory_space<semaphore_mem>>) src(%arg9 : memref<128x128xf32, #tpu.memory_space<vmem>>) dst(%dma_wait3A_566 : memref<128x128xf32, #tpu.memory_space<hbm>>)
      %add3A_567 = arith.constant 3 : i32
      %add3A_568 = arith.addi %add3A_548, %add3A_567 : i32
      %dma_start3A_569 = arith.constant 0 : i32
      %dma_start3A_570 = tpu.memref_slice %arg8[%add3A_568, %dma_start3A_569] : memref<50x128xi32, #tpu.memory_space<vmem>> -> memref<1x128xi32, #tpu.memory_space<vmem>>
      %dma_start3A_571 = tpu.memref_squeeze %dma_start3A_570 : memref<1x128xi32, #tpu.memory_space<vmem>> -> memref<128xi32, #tpu.memory_space<vmem>>
      %dma_start3A_572 = arith.constant 0 : i32
      %dma_start3A_573 = arith.constant 0 : i32
      %dma_start3A_574 = tpu.memref_slice %arg5[%dma_start3A_572, %dma_start3A_573] : memref<100000x128xf32, #tpu.memory_space<hbm>> -> memref<100000x128xf32, #tpu.memory_space<hbm>>
      tpu.enqueue_indirect_dma source(%dma_start3A_574 : memref<100000x128xf32, #tpu.memory_space<hbm>>) target(%arg12 : memref<128x128xf32, #tpu.memory_space<vmem>>) offsets(%dma_start3A_571 : memref<128xi32, #tpu.memory_space<vmem>>) semaphore(%arg15 : memref<!tpu.dma_semaphore, #tpu.memory_space<semaphore_mem>>)
      %add3A_575 = arith.constant 4 : i32
      %add3A_576 = arith.addi %add3A_462, %add3A_575 : i32
      %dma_wait3A_577 = arith.constant 0 : i32
      %dma_wait3A_578 = tpu.memref_slice %arg8[%add3A_576, %dma_wait3A_577] : memref<50x128xi32, #tpu.memory_space<vmem>> -> memref<1x128xi32, #tpu.memory_space<vmem>>
      %dma_wait3A_579 = tpu.memref_squeeze %dma_wait3A_578 : memref<1x128xi32, #tpu.memory_space<vmem>> -> memref<128xi32, #tpu.memory_space<vmem>>
      %dma_wait3A_580 = arith.constant 0 : i32
      %dma_wait3A_581 = arith.constant 0 : i32
      %dma_wait3A_582 = tpu.memref_slice %arg5[%dma_wait3A_580, %dma_wait3A_581] : memref<100000x128xf32, #tpu.memory_space<hbm>> -> memref<100000x128xf32, #tpu.memory_space<hbm>>
      tpu.wait_indirect_dma semaphore(%arg15 : memref<!tpu.dma_semaphore, #tpu.memory_space<semaphore_mem>>) src(%dma_wait3A_582 : memref<100000x128xf32, #tpu.memory_space<hbm>>) dst(%arg10 : memref<128x128xf32, #tpu.memory_space<vmem>>)
      %dma_start3A_583 = arith.constant 0 : i32
      %dma_start3A_584 = tpu.memref_slice %arg7[%add3A_576, %mul3A_2, %dma_start3A_583] : memref<50x4096x128xf32, #tpu.memory_space<hbm>> -> memref<1x128x128xf32, #tpu.memory_space<hbm>>
      %dma_start3A_585 = tpu.memref_squeeze %dma_start3A_584 : memref<1x128x128xf32, #tpu.memory_space<hbm>> -> memref<128x128xf32, #tpu.memory_space<hbm>>
      %dma_start3A_586 = arith.constant 0 : i32
      %dma_start3A_587 = tpu.memref_slice %arg7[%add3A_576, %mul3A_2, %dma_start3A_586] : memref<50x4096x128xf32, #tpu.memory_space<hbm>> -> memref<1x128x128xf32, #tpu.memory_space<hbm>>
      %dma_start3A_588 = tpu.memref_squeeze %dma_start3A_587 : memref<1x128x128xf32, #tpu.memory_space<hbm>> -> memref<128x128xf32, #tpu.memory_space<hbm>>
      tpu.enqueue_dma source(%arg10 : memref<128x128xf32, #tpu.memory_space<vmem>>) target(%dma_start3A_588 : memref<128x128xf32, #tpu.memory_space<hbm>>) target_semaphore(%arg16 : memref<!tpu.dma_semaphore, #tpu.memory_space<semaphore_mem>>)
      %dma_wait3A_589 = arith.constant 0 : i32
      %dma_wait3A_590 = tpu.memref_slice %arg7[%add3A_576, %mul3A_2, %dma_wait3A_589] : memref<50x4096x128xf32, #tpu.memory_space<hbm>> -> memref<1x128x128xf32, #tpu.memory_space<hbm>>
      %dma_wait3A_591 = tpu.memref_squeeze %dma_wait3A_590 : memref<1x128x128xf32, #tpu.memory_space<hbm>> -> memref<128x128xf32, #tpu.memory_space<hbm>>
      %dma_wait3A_592 = arith.constant 0 : i32
      %dma_wait3A_593 = tpu.memref_slice %arg7[%add3A_576, %mul3A_2, %dma_wait3A_592] : memref<50x4096x128xf32, #tpu.memory_space<hbm>> -> memref<1x128x128xf32, #tpu.memory_space<hbm>>
      %dma_wait3A_594 = tpu.memref_squeeze %dma_wait3A_593 : memref<1x128x128xf32, #tpu.memory_space<hbm>> -> memref<128x128xf32, #tpu.memory_space<hbm>>
      tpu.wait_dma2 semaphore(%arg16 : memref<!tpu.dma_semaphore, #tpu.memory_space<semaphore_mem>>) src(%arg10 : memref<128x128xf32, #tpu.memory_space<vmem>>) dst(%dma_wait3A_594 : memref<128x128xf32, #tpu.memory_space<hbm>>)
      %add3A_595 = arith.constant 3 : i32
      %add3A_596 = arith.addi %add3A_576, %add3A_595 : i32
      %dma_start3A_597 = arith.constant 0 : i32
      %dma_start3A_598 = tpu.memref_slice %arg8[%add3A_596, %dma_start3A_597] : memref<50x128xi32, #tpu.memory_space<vmem>> -> memref<1x128xi32, #tpu.memory_space<vmem>>
      %dma_start3A_599 = tpu.memref_squeeze %dma_start3A_598 : memref<1x128xi32, #tpu.memory_space<vmem>> -> memref<128xi32, #tpu.memory_space<vmem>>
      %dma_start3A_600 = arith.constant 0 : i32
      %dma_start3A_601 = arith.constant 0 : i32
      %dma_start3A_602 = tpu.memref_slice %arg5[%dma_start3A_600, %dma_start3A_601] : memref<100000x128xf32, #tpu.memory_space<hbm>> -> memref<100000x128xf32, #tpu.memory_space<hbm>>
      tpu.enqueue_indirect_dma source(%dma_start3A_602 : memref<100000x128xf32, #tpu.memory_space<hbm>>) target(%arg13 : memref<128x128xf32, #tpu.memory_space<vmem>>) offsets(%dma_start3A_599 : memref<128xi32, #tpu.memory_space<vmem>>) semaphore(%arg15 : memref<!tpu.dma_semaphore, #tpu.memory_space<semaphore_mem>>)
      %add3A_603 = arith.constant 5 : i32
      %add3A_604 = arith.addi %add3A_462, %add3A_603 : i32
      %dma_wait3A_605 = arith.constant 0 : i32
      %dma_wait3A_606 = tpu.memref_slice %arg8[%add3A_604, %dma_wait3A_605] : memref<50x128xi32, #tpu.memory_space<vmem>> -> memref<1x128xi32, #tpu.memory_space<vmem>>
      %dma_wait3A_607 = tpu.memref_squeeze %dma_wait3A_606 : memref<1x128xi32, #tpu.memory_space<vmem>> -> memref<128xi32, #tpu.memory_space<vmem>>
      %dma_wait3A_608 = arith.constant 0 : i32
      %dma_wait3A_609 = arith.constant 0 : i32
      %dma_wait3A_610 = tpu.memref_slice %arg5[%dma_wait3A_608, %dma_wait3A_609] : memref<100000x128xf32, #tpu.memory_space<hbm>> -> memref<100000x128xf32, #tpu.memory_space<hbm>>
      tpu.wait_indirect_dma semaphore(%arg15 : memref<!tpu.dma_semaphore, #tpu.memory_space<semaphore_mem>>) src(%dma_wait3A_610 : memref<100000x128xf32, #tpu.memory_space<hbm>>) dst(%arg11 : memref<128x128xf32, #tpu.memory_space<vmem>>)
      %dma_start3A_611 = arith.constant 0 : i32
      %dma_start3A_612 = tpu.memref_slice %arg7[%add3A_604, %mul3A_2, %dma_start3A_611] : memref<50x4096x128xf32, #tpu.memory_space<hbm>> -> memref<1x128x128xf32, #tpu.memory_space<hbm>>
      %dma_start3A_613 = tpu.memref_squeeze %dma_start3A_612 : memref<1x128x128xf32, #tpu.memory_space<hbm>> -> memref<128x128xf32, #tpu.memory_space<hbm>>
      %dma_start3A_614 = arith.constant 0 : i32
      %dma_start3A_615 = tpu.memref_slice %arg7[%add3A_604, %mul3A_2, %dma_start3A_614] : memref<50x4096x128xf32, #tpu.memory_space<hbm>> -> memref<1x128x128xf32, #tpu.memory_space<hbm>>
      %dma_start3A_616 = tpu.memref_squeeze %dma_start3A_615 : memref<1x128x128xf32, #tpu.memory_space<hbm>> -> memref<128x128xf32, #tpu.memory_space<hbm>>
      tpu.enqueue_dma source(%arg11 : memref<128x128xf32, #tpu.memory_space<vmem>>) target(%dma_start3A_616 : memref<128x128xf32, #tpu.memory_space<hbm>>) target_semaphore(%arg16 : memref<!tpu.dma_semaphore, #tpu.memory_space<semaphore_mem>>)
      %dma_wait3A_617 = arith.constant 0 : i32
      %dma_wait3A_618 = tpu.memref_slice %arg7[%add3A_604, %mul3A_2, %dma_wait3A_617] : memref<50x4096x128xf32, #tpu.memory_space<hbm>> -> memref<1x128x128xf32, #tpu.memory_space<hbm>>
      %dma_wait3A_619 = tpu.memref_squeeze %dma_wait3A_618 : memref<1x128x128xf32, #tpu.memory_space<hbm>> -> memref<128x128xf32, #tpu.memory_space<hbm>>
      %dma_wait3A_620 = arith.constant 0 : i32
      %dma_wait3A_621 = tpu.memref_slice %arg7[%add3A_604, %mul3A_2, %dma_wait3A_620] : memref<50x4096x128xf32, #tpu.memory_space<hbm>> -> memref<1x128x128xf32, #tpu.memory_space<hbm>>
      %dma_wait3A_622 = tpu.memref_squeeze %dma_wait3A_621 : memref<1x128x128xf32, #tpu.memory_space<hbm>> -> memref<128x128xf32, #tpu.memory_space<hbm>>
      tpu.wait_dma2 semaphore(%arg16 : memref<!tpu.dma_semaphore, #tpu.memory_space<semaphore_mem>>) src(%arg11 : memref<128x128xf32, #tpu.memory_space<vmem>>) dst(%dma_wait3A_622 : memref<128x128xf32, #tpu.memory_space<hbm>>)
      %add3A_623 = arith.constant 3 : i32
      %add3A_624 = arith.addi %add3A_604, %add3A_623 : i32
      %dma_start3A_625 = arith.constant 0 : i32
      %dma_start3A_626 = tpu.memref_slice %arg8[%add3A_624, %dma_start3A_625] : memref<50x128xi32, #tpu.memory_space<vmem>> -> memref<1x128xi32, #tpu.memory_space<vmem>>
      %dma_start3A_627 = tpu.memref_squeeze %dma_start3A_626 : memref<1x128xi32, #tpu.memory_space<vmem>> -> memref<128xi32, #tpu.memory_space<vmem>>
      %dma_start3A_628 = arith.constant 0 : i32
      %dma_start3A_629 = arith.constant 0 : i32
      %dma_start3A_630 = tpu.memref_slice %arg5[%dma_start3A_628, %dma_start3A_629] : memref<100000x128xf32, #tpu.memory_space<hbm>> -> memref<100000x128xf32, #tpu.memory_space<hbm>>
      tpu.enqueue_indirect_dma source(%dma_start3A_630 : memref<100000x128xf32, #tpu.memory_space<hbm>>) target(%arg14 : memref<128x128xf32, #tpu.memory_space<vmem>>) offsets(%dma_start3A_627 : memref<128xi32, #tpu.memory_space<vmem>>) semaphore(%arg15 : memref<!tpu.dma_semaphore, #tpu.memory_space<semaphore_mem>>)
    }
    %scan3A_317 = arith.constant 7 : i32
    %dma_wait3A_318 = arith.constant 45 : i32
    %dma_wait3A_319 = arith.constant 0 : i32
    %dma_wait3A_320 = tpu.memref_slice %arg8[%dma_wait3A_318, %dma_wait3A_319] : memref<50x128xi32, #tpu.memory_space<vmem>> -> memref<1x128xi32, #tpu.memory_space<vmem>>
    %dma_wait3A_321 = tpu.memref_squeeze %dma_wait3A_320 : memref<1x128xi32, #tpu.memory_space<vmem>> -> memref<128xi32, #tpu.memory_space<vmem>>
    %dma_wait3A_322 = arith.constant 0 : i32
    %dma_wait3A_323 = arith.constant 0 : i32
    %dma_wait3A_324 = tpu.memref_slice %arg5[%dma_wait3A_322, %dma_wait3A_323] : memref<100000x128xf32, #tpu.memory_space<hbm>> -> memref<100000x128xf32, #tpu.memory_space<hbm>>
    tpu.wait_indirect_dma semaphore(%arg15 : memref<!tpu.dma_semaphore, #tpu.memory_space<semaphore_mem>>) src(%dma_wait3A_324 : memref<100000x128xf32, #tpu.memory_space<hbm>>) dst(%arg12 : memref<128x128xf32, #tpu.memory_space<vmem>>)
    %dma_start3A_325 = arith.constant 45 : i32
    %dma_start3A_326 = arith.constant 0 : i32
    %dma_start3A_327 = tpu.memref_slice %arg7[%dma_start3A_325, %mul3A_2, %dma_start3A_326] : memref<50x4096x128xf32, #tpu.memory_space<hbm>> -> memref<1x128x128xf32, #tpu.memory_space<hbm>>
    %dma_start3A_328 = tpu.memref_squeeze %dma_start3A_327 : memref<1x128x128xf32, #tpu.memory_space<hbm>> -> memref<128x128xf32, #tpu.memory_space<hbm>>
    %dma_start3A_329 = arith.constant 0 : i32
    %dma_start3A_330 = tpu.memref_slice %arg7[%dma_start3A_325, %mul3A_2, %dma_start3A_329] : memref<50x4096x128xf32, #tpu.memory_space<hbm>> -> memref<1x128x128xf32, #tpu.memory_space<hbm>>
    %dma_start3A_331 = tpu.memref_squeeze %dma_start3A_330 : memref<1x128x128xf32, #tpu.memory_space<hbm>> -> memref<128x128xf32, #tpu.memory_space<hbm>>
    tpu.enqueue_dma source(%arg12 : memref<128x128xf32, #tpu.memory_space<vmem>>) target(%dma_start3A_331 : memref<128x128xf32, #tpu.memory_space<hbm>>) target_semaphore(%arg16 : memref<!tpu.dma_semaphore, #tpu.memory_space<semaphore_mem>>)
    %dma_wait3A_332 = arith.constant 45 : i32
    %dma_wait3A_333 = arith.constant 0 : i32
    %dma_wait3A_334 = tpu.memref_slice %arg7[%dma_wait3A_332, %mul3A_2, %dma_wait3A_333] : memref<50x4096x128xf32, #tpu.memory_space<hbm>> -> memref<1x128x128xf32, #tpu.memory_space<hbm>>
    %dma_wait3A_335 = tpu.memref_squeeze %dma_wait3A_334 : memref<1x128x128xf32, #tpu.memory_space<hbm>> -> memref<128x128xf32, #tpu.memory_space<hbm>>
    %dma_wait3A_336 = arith.constant 0 : i32
    %dma_wait3A_337 = tpu.memref_slice %arg7[%dma_wait3A_332, %mul3A_2, %dma_wait3A_336] : memref<50x4096x128xf32, #tpu.memory_space<hbm>> -> memref<1x128x128xf32, #tpu.memory_space<hbm>>
    %dma_wait3A_338 = tpu.memref_squeeze %dma_wait3A_337 : memref<1x128x128xf32, #tpu.memory_space<hbm>> -> memref<128x128xf32, #tpu.memory_space<hbm>>
    tpu.wait_dma2 semaphore(%arg16 : memref<!tpu.dma_semaphore, #tpu.memory_space<semaphore_mem>>) src(%arg12 : memref<128x128xf32, #tpu.memory_space<vmem>>) dst(%dma_wait3A_338 : memref<128x128xf32, #tpu.memory_space<hbm>>)
    %dma_start3A_339 = arith.constant 48 : i32
    %dma_start3A_340 = arith.constant 0 : i32
    %dma_start3A_341 = tpu.memref_slice %arg8[%dma_start3A_339, %dma_start3A_340] : memref<50x128xi32, #tpu.memory_space<vmem>> -> memref<1x128xi32, #tpu.memory_space<vmem>>
    %dma_start3A_342 = tpu.memref_squeeze %dma_start3A_341 : memref<1x128xi32, #tpu.memory_space<vmem>> -> memref<128xi32, #tpu.memory_space<vmem>>
    %dma_start3A_343 = arith.constant 0 : i32
    %dma_start3A_344 = arith.constant 0 : i32
    %dma_start3A_345 = tpu.memref_slice %arg5[%dma_start3A_343, %dma_start3A_344] : memref<100000x128xf32, #tpu.memory_space<hbm>> -> memref<100000x128xf32, #tpu.memory_space<hbm>>
    tpu.enqueue_indirect_dma source(%dma_start3A_345 : memref<100000x128xf32, #tpu.memory_space<hbm>>) target(%arg9 : memref<128x128xf32, #tpu.memory_space<vmem>>) offsets(%dma_start3A_342 : memref<128xi32, #tpu.memory_space<vmem>>) semaphore(%arg15 : memref<!tpu.dma_semaphore, #tpu.memory_space<semaphore_mem>>)
    %dma_wait3A_346 = arith.constant 46 : i32
    %dma_wait3A_347 = arith.constant 0 : i32
    %dma_wait3A_348 = tpu.memref_slice %arg8[%dma_wait3A_346, %dma_wait3A_347] : memref<50x128xi32, #tpu.memory_space<vmem>> -> memref<1x128xi32, #tpu.memory_space<vmem>>
    %dma_wait3A_349 = tpu.memref_squeeze %dma_wait3A_348 : memref<1x128xi32, #tpu.memory_space<vmem>> -> memref<128xi32, #tpu.memory_space<vmem>>
    %dma_wait3A_350 = arith.constant 0 : i32
    %dma_wait3A_351 = arith.constant 0 : i32
    %dma_wait3A_352 = tpu.memref_slice %arg5[%dma_wait3A_350, %dma_wait3A_351] : memref<100000x128xf32, #tpu.memory_space<hbm>> -> memref<100000x128xf32, #tpu.memory_space<hbm>>
    tpu.wait_indirect_dma semaphore(%arg15 : memref<!tpu.dma_semaphore, #tpu.memory_space<semaphore_mem>>) src(%dma_wait3A_352 : memref<100000x128xf32, #tpu.memory_space<hbm>>) dst(%arg13 : memref<128x128xf32, #tpu.memory_space<vmem>>)
    %dma_start3A_353 = arith.constant 46 : i32
    %dma_start3A_354 = arith.constant 0 : i32
    %dma_start3A_355 = tpu.memref_slice %arg7[%dma_start3A_353, %mul3A_2, %dma_start3A_354] : memref<50x4096x128xf32, #tpu.memory_space<hbm>> -> memref<1x128x128xf32, #tpu.memory_space<hbm>>
    %dma_start3A_356 = tpu.memref_squeeze %dma_start3A_355 : memref<1x128x128xf32, #tpu.memory_space<hbm>> -> memref<128x128xf32, #tpu.memory_space<hbm>>
    %dma_start3A_357 = arith.constant 0 : i32
    %dma_start3A_358 = tpu.memref_slice %arg7[%dma_start3A_353, %mul3A_2, %dma_start3A_357] : memref<50x4096x128xf32, #tpu.memory_space<hbm>> -> memref<1x128x128xf32, #tpu.memory_space<hbm>>
    %dma_start3A_359 = tpu.memref_squeeze %dma_start3A_358 : memref<1x128x128xf32, #tpu.memory_space<hbm>> -> memref<128x128xf32, #tpu.memory_space<hbm>>
    tpu.enqueue_dma source(%arg13 : memref<128x128xf32, #tpu.memory_space<vmem>>) target(%dma_start3A_359 : memref<128x128xf32, #tpu.memory_space<hbm>>) target_semaphore(%arg16 : memref<!tpu.dma_semaphore, #tpu.memory_space<semaphore_mem>>)
    %dma_wait3A_360 = arith.constant 46 : i32
    %dma_wait3A_361 = arith.constant 0 : i32
    %dma_wait3A_362 = tpu.memref_slice %arg7[%dma_wait3A_360, %mul3A_2, %dma_wait3A_361] : memref<50x4096x128xf32, #tpu.memory_space<hbm>> -> memref<1x128x128xf32, #tpu.memory_space<hbm>>
    %dma_wait3A_363 = tpu.memref_squeeze %dma_wait3A_362 : memref<1x128x128xf32, #tpu.memory_space<hbm>> -> memref<128x128xf32, #tpu.memory_space<hbm>>
    %dma_wait3A_364 = arith.constant 0 : i32
    %dma_wait3A_365 = tpu.memref_slice %arg7[%dma_wait3A_360, %mul3A_2, %dma_wait3A_364] : memref<50x4096x128xf32, #tpu.memory_space<hbm>> -> memref<1x128x128xf32, #tpu.memory_space<hbm>>
    %dma_wait3A_366 = tpu.memref_squeeze %dma_wait3A_365 : memref<1x128x128xf32, #tpu.memory_space<hbm>> -> memref<128x128xf32, #tpu.memory_space<hbm>>
    tpu.wait_dma2 semaphore(%arg16 : memref<!tpu.dma_semaphore, #tpu.memory_space<semaphore_mem>>) src(%arg13 : memref<128x128xf32, #tpu.memory_space<vmem>>) dst(%dma_wait3A_366 : memref<128x128xf32, #tpu.memory_space<hbm>>)
    %dma_start3A_367 = arith.constant 49 : i32
    %dma_start3A_368 = arith.constant 0 : i32
    %dma_start3A_369 = tpu.memref_slice %arg8[%dma_start3A_367, %dma_start3A_368] : memref<50x128xi32, #tpu.memory_space<vmem>> -> memref<1x128xi32, #tpu.memory_space<vmem>>
    %dma_start3A_370 = tpu.memref_squeeze %dma_start3A_369 : memref<1x128xi32, #tpu.memory_space<vmem>> -> memref<128xi32, #tpu.memory_space<vmem>>
    %dma_start3A_371 = arith.constant 0 : i32
    %dma_start3A_372 = arith.constant 0 : i32
    %dma_start3A_373 = tpu.memref_slice %arg5[%dma_start3A_371, %dma_start3A_372] : memref<100000x128xf32, #tpu.memory_space<hbm>> -> memref<100000x128xf32, #tpu.memory_space<hbm>>
    tpu.enqueue_indirect_dma source(%dma_start3A_373 : memref<100000x128xf32, #tpu.memory_space<hbm>>) target(%arg10 : memref<128x128xf32, #tpu.memory_space<vmem>>) offsets(%dma_start3A_370 : memref<128xi32, #tpu.memory_space<vmem>>) semaphore(%arg15 : memref<!tpu.dma_semaphore, #tpu.memory_space<semaphore_mem>>)
    %dma_wait3A_374 = arith.constant 47 : i32
    %dma_wait3A_375 = arith.constant 0 : i32
    %dma_wait3A_376 = tpu.memref_slice %arg8[%dma_wait3A_374, %dma_wait3A_375] : memref<50x128xi32, #tpu.memory_space<vmem>> -> memref<1x128xi32, #tpu.memory_space<vmem>>
    %dma_wait3A_377 = tpu.memref_squeeze %dma_wait3A_376 : memref<1x128xi32, #tpu.memory_space<vmem>> -> memref<128xi32, #tpu.memory_space<vmem>>
    %dma_wait3A_378 = arith.constant 0 : i32
    %dma_wait3A_379 = arith.constant 0 : i32
    %dma_wait3A_380 = tpu.memref_slice %arg5[%dma_wait3A_378, %dma_wait3A_379] : memref<100000x128xf32, #tpu.memory_space<hbm>> -> memref<100000x128xf32, #tpu.memory_space<hbm>>
    tpu.wait_indirect_dma semaphore(%arg15 : memref<!tpu.dma_semaphore, #tpu.memory_space<semaphore_mem>>) src(%dma_wait3A_380 : memref<100000x128xf32, #tpu.memory_space<hbm>>) dst(%arg14 : memref<128x128xf32, #tpu.memory_space<vmem>>)
    %dma_start3A_381 = arith.constant 47 : i32
    %dma_start3A_382 = arith.constant 0 : i32
    %dma_start3A_383 = tpu.memref_slice %arg7[%dma_start3A_381, %mul3A_2, %dma_start3A_382] : memref<50x4096x128xf32, #tpu.memory_space<hbm>> -> memref<1x128x128xf32, #tpu.memory_space<hbm>>
    %dma_start3A_384 = tpu.memref_squeeze %dma_start3A_383 : memref<1x128x128xf32, #tpu.memory_space<hbm>> -> memref<128x128xf32, #tpu.memory_space<hbm>>
    %dma_start3A_385 = arith.constant 0 : i32
    %dma_start3A_386 = tpu.memref_slice %arg7[%dma_start3A_381, %mul3A_2, %dma_start3A_385] : memref<50x4096x128xf32, #tpu.memory_space<hbm>> -> memref<1x128x128xf32, #tpu.memory_space<hbm>>
    %dma_start3A_387 = tpu.memref_squeeze %dma_start3A_386 : memref<1x128x128xf32, #tpu.memory_space<hbm>> -> memref<128x128xf32, #tpu.memory_space<hbm>>
    tpu.enqueue_dma source(%arg14 : memref<128x128xf32, #tpu.memory_space<vmem>>) target(%dma_start3A_387 : memref<128x128xf32, #tpu.memory_space<hbm>>) target_semaphore(%arg16 : memref<!tpu.dma_semaphore, #tpu.memory_space<semaphore_mem>>)
    %dma_wait3A_388 = arith.constant 47 : i32
    %dma_wait3A_389 = arith.constant 0 : i32
    %dma_wait3A_390 = tpu.memref_slice %arg7[%dma_wait3A_388, %mul3A_2, %dma_wait3A_389] : memref<50x4096x128xf32, #tpu.memory_space<hbm>> -> memref<1x128x128xf32, #tpu.memory_space<hbm>>
    %dma_wait3A_391 = tpu.memref_squeeze %dma_wait3A_390 : memref<1x128x128xf32, #tpu.memory_space<hbm>> -> memref<128x128xf32, #tpu.memory_space<hbm>>
    %dma_wait3A_392 = arith.constant 0 : i32
    %dma_wait3A_393 = tpu.memref_slice %arg7[%dma_wait3A_388, %mul3A_2, %dma_wait3A_392] : memref<50x4096x128xf32, #tpu.memory_space<hbm>> -> memref<1x128x128xf32, #tpu.memory_space<hbm>>
    %dma_wait3A_394 = tpu.memref_squeeze %dma_wait3A_393 : memref<1x128x128xf32, #tpu.memory_space<hbm>> -> memref<128x128xf32, #tpu.memory_space<hbm>>
    tpu.wait_dma2 semaphore(%arg16 : memref<!tpu.dma_semaphore, #tpu.memory_space<semaphore_mem>>) src(%arg14 : memref<128x128xf32, #tpu.memory_space<vmem>>) dst(%dma_wait3A_394 : memref<128x128xf32, #tpu.memory_space<hbm>>)
    %dma_wait3A_395 = arith.constant 48 : i32
    %dma_wait3A_396 = arith.constant 0 : i32
    %dma_wait3A_397 = tpu.memref_slice %arg8[%dma_wait3A_395, %dma_wait3A_396] : memref<50x128xi32, #tpu.memory_space<vmem>> -> memref<1x128xi32, #tpu.memory_space<vmem>>
    %dma_wait3A_398 = tpu.memref_squeeze %dma_wait3A_397 : memref<1x128xi32, #tpu.memory_space<vmem>> -> memref<128xi32, #tpu.memory_space<vmem>>
    %dma_wait3A_399 = arith.constant 0 : i32
    %dma_wait3A_400 = arith.constant 0 : i32
    %dma_wait3A_401 = tpu.memref_slice %arg5[%dma_wait3A_399, %dma_wait3A_400] : memref<100000x128xf32, #tpu.memory_space<hbm>> -> memref<100000x128xf32, #tpu.memory_space<hbm>>
    tpu.wait_indirect_dma semaphore(%arg15 : memref<!tpu.dma_semaphore, #tpu.memory_space<semaphore_mem>>) src(%dma_wait3A_401 : memref<100000x128xf32, #tpu.memory_space<hbm>>) dst(%arg9 : memref<128x128xf32, #tpu.memory_space<vmem>>)
    %dma_start3A_402 = arith.constant 48 : i32
    %dma_start3A_403 = arith.constant 0 : i32
    %dma_start3A_404 = tpu.memref_slice %arg7[%dma_start3A_402, %mul3A_2, %dma_start3A_403] : memref<50x4096x128xf32, #tpu.memory_space<hbm>> -> memref<1x128x128xf32, #tpu.memory_space<hbm>>
    %dma_start3A_405 = tpu.memref_squeeze %dma_start3A_404 : memref<1x128x128xf32, #tpu.memory_space<hbm>> -> memref<128x128xf32, #tpu.memory_space<hbm>>
    %dma_start3A_406 = arith.constant 0 : i32
    %dma_start3A_407 = tpu.memref_slice %arg7[%dma_start3A_402, %mul3A_2, %dma_start3A_406] : memref<50x4096x128xf32, #tpu.memory_space<hbm>> -> memref<1x128x128xf32, #tpu.memory_space<hbm>>
    %dma_start3A_408 = tpu.memref_squeeze %dma_start3A_407 : memref<1x128x128xf32, #tpu.memory_space<hbm>> -> memref<128x128xf32, #tpu.memory_space<hbm>>
    tpu.enqueue_dma source(%arg9 : memref<128x128xf32, #tpu.memory_space<vmem>>) target(%dma_start3A_408 : memref<128x128xf32, #tpu.memory_space<hbm>>) target_semaphore(%arg16 : memref<!tpu.dma_semaphore, #tpu.memory_space<semaphore_mem>>)
    %dma_wait3A_409 = arith.constant 48 : i32
    %dma_wait3A_410 = arith.constant 0 : i32
    %dma_wait3A_411 = tpu.memref_slice %arg7[%dma_wait3A_409, %mul3A_2, %dma_wait3A_410] : memref<50x4096x128xf32, #tpu.memory_space<hbm>> -> memref<1x128x128xf32, #tpu.memory_space<hbm>>
    %dma_wait3A_412 = tpu.memref_squeeze %dma_wait3A_411 : memref<1x128x128xf32, #tpu.memory_space<hbm>> -> memref<128x128xf32, #tpu.memory_space<hbm>>
    %dma_wait3A_413 = arith.constant 0 : i32
    %dma_wait3A_414 = tpu.memref_slice %arg7[%dma_wait3A_409, %mul3A_2, %dma_wait3A_413] : memref<50x4096x128xf32, #tpu.memory_space<hbm>> -> memref<1x128x128xf32, #tpu.memory_space<hbm>>
    %dma_wait3A_415 = tpu.memref_squeeze %dma_wait3A_414 : memref<1x128x128xf32, #tpu.memory_space<hbm>> -> memref<128x128xf32, #tpu.memory_space<hbm>>
    tpu.wait_dma2 semaphore(%arg16 : memref<!tpu.dma_semaphore, #tpu.memory_space<semaphore_mem>>) src(%arg9 : memref<128x128xf32, #tpu.memory_space<vmem>>) dst(%dma_wait3A_415 : memref<128x128xf32, #tpu.memory_space<hbm>>)
    %dma_wait3A_416 = arith.constant 49 : i32
    %dma_wait3A_417 = arith.constant 0 : i32
    %dma_wait3A_418 = tpu.memref_slice %arg8[%dma_wait3A_416, %dma_wait3A_417] : memref<50x128xi32, #tpu.memory_space<vmem>> -> memref<1x128xi32, #tpu.memory_space<vmem>>
    %dma_wait3A_419 = tpu.memref_squeeze %dma_wait3A_418 : memref<1x128xi32, #tpu.memory_space<vmem>> -> memref<128xi32, #tpu.memory_space<vmem>>
    %dma_wait3A_420 = arith.constant 0 : i32
    %dma_wait3A_421 = arith.constant 0 : i32
    %dma_wait3A_422 = tpu.memref_slice %arg5[%dma_wait3A_420, %dma_wait3A_421] : memref<100000x128xf32, #tpu.memory_space<hbm>> -> memref<100000x128xf32, #tpu.memory_space<hbm>>
    tpu.wait_indirect_dma semaphore(%arg15 : memref<!tpu.dma_semaphore, #tpu.memory_space<semaphore_mem>>) src(%dma_wait3A_422 : memref<100000x128xf32, #tpu.memory_space<hbm>>) dst(%arg10 : memref<128x128xf32, #tpu.memory_space<vmem>>)
    %dma_start3A_423 = arith.constant 49 : i32
    %dma_start3A_424 = arith.constant 0 : i32
    %dma_start3A_425 = tpu.memref_slice %arg7[%dma_start3A_423, %mul3A_2, %dma_start3A_424] : memref<50x4096x128xf32, #tpu.memory_space<hbm>> -> memref<1x128x128xf32, #tpu.memory_space<hbm>>
    %dma_start3A_426 = tpu.memref_squeeze %dma_start3A_425 : memref<1x128x128xf32, #tpu.memory_space<hbm>> -> memref<128x128xf32, #tpu.memory_space<hbm>>
    %dma_start3A_427 = arith.constant 0 : i32
    %dma_start3A_428 = tpu.memref_slice %arg7[%dma_start3A_423, %mul3A_2, %dma_start3A_427] : memref<50x4096x128xf32, #tpu.memory_space<hbm>> -> memref<1x128x128xf32, #tpu.memory_space<hbm>>
    %dma_start3A_429 = tpu.memref_squeeze %dma_start3A_428 : memref<1x128x128xf32, #tpu.memory_space<hbm>> -> memref<128x128xf32, #tpu.memory_space<hbm>>
    tpu.enqueue_dma source(%arg10 : memref<128x128xf32, #tpu.memory_space<vmem>>) target(%dma_start3A_429 : memref<128x128xf32, #tpu.memory_space<hbm>>) target_semaphore(%arg16 : memref<!tpu.dma_semaphore, #tpu.memory_space<semaphore_mem>>)
    %dma_wait3A_430 = arith.constant 49 : i32
    %dma_wait3A_431 = arith.constant 0 : i32
    %dma_wait3A_432 = tpu.memref_slice %arg7[%dma_wait3A_430, %mul3A_2, %dma_wait3A_431] : memref<50x4096x128xf32, #tpu.memory_space<hbm>> -> memref<1x128x128xf32, #tpu.memory_space<hbm>>
    %dma_wait3A_433 = tpu.memref_squeeze %dma_wait3A_432 : memref<1x128x128xf32, #tpu.memory_space<hbm>> -> memref<128x128xf32, #tpu.memory_space<hbm>>
    %dma_wait3A_434 = arith.constant 0 : i32
    %dma_wait3A_435 = tpu.memref_slice %arg7[%dma_wait3A_430, %mul3A_2, %dma_wait3A_434] : memref<50x4096x128xf32, #tpu.memory_space<hbm>> -> memref<1x128x128xf32, #tpu.memory_space<hbm>>
    %dma_wait3A_436 = tpu.memref_squeeze %dma_wait3A_435 : memref<1x128x128xf32, #tpu.memory_space<hbm>> -> memref<128x128xf32, #tpu.memory_space<hbm>>
    tpu.wait_dma2 semaphore(%arg16 : memref<!tpu.dma_semaphore, #tpu.memory_space<semaphore_mem>>) src(%arg10 : memref<128x128xf32, #tpu.memory_space<vmem>>) dst(%dma_wait3A_436 : memref<128x128xf32, #tpu.memory_space<hbm>>)
    %dma_wait3A_437 = arith.constant 0 : i32
    %dma_wait3A_438 = arith.constant 0 : i32
    %dma_wait3A_439 = tpu.memref_slice %arg7[%dma_wait3A_437, %mul3A_2, %dma_wait3A_438] : memref<50x4096x128xf32, #tpu.memory_space<hbm>> -> memref<1x128x128xf32, #tpu.memory_space<hbm>>
    %dma_wait3A_440 = tpu.memref_squeeze %dma_wait3A_439 : memref<1x128x128xf32, #tpu.memory_space<hbm>> -> memref<128x128xf32, #tpu.memory_space<hbm>>
    %dma_wait3A_441 = arith.constant 0 : i32
    %dma_wait3A_442 = tpu.memref_slice %arg7[%dma_wait3A_437, %mul3A_2, %dma_wait3A_441] : memref<50x4096x128xf32, #tpu.memory_space<hbm>> -> memref<1x128x128xf32, #tpu.memory_space<hbm>>
    %dma_wait3A_443 = tpu.memref_squeeze %dma_wait3A_442 : memref<1x128x128xf32, #tpu.memory_space<hbm>> -> memref<128x128xf32, #tpu.memory_space<hbm>>
    tpu.wait_dma2 semaphore(%arg16 : memref<!tpu.dma_semaphore, #tpu.memory_space<semaphore_mem>>) src(%arg9 : memref<128x128xf32, #tpu.memory_space<vmem>>) dst(%dma_wait3A_443 : memref<128x128xf32, #tpu.memory_space<hbm>>)
    %dma_wait3A_444 = arith.constant 0 : i32
    %dma_wait3A_445 = arith.constant 0 : i32
    %dma_wait3A_446 = tpu.memref_slice %arg7[%dma_wait3A_444, %mul3A_2, %dma_wait3A_445] : memref<50x4096x128xf32, #tpu.memory_space<hbm>> -> memref<1x128x128xf32, #tpu.memory_space<hbm>>
    %dma_wait3A_447 = tpu.memref_squeeze %dma_wait3A_446 : memref<1x128x128xf32, #tpu.memory_space<hbm>> -> memref<128x128xf32, #tpu.memory_space<hbm>>
    %dma_wait3A_448 = arith.constant 0 : i32
    %dma_wait3A_449 = tpu.memref_slice %arg7[%dma_wait3A_444, %mul3A_2, %dma_wait3A_448] : memref<50x4096x128xf32, #tpu.memory_space<hbm>> -> memref<1x128x128xf32, #tpu.memory_space<hbm>>
    %dma_wait3A_450 = tpu.memref_squeeze %dma_wait3A_449 : memref<1x128x128xf32, #tpu.memory_space<hbm>> -> memref<128x128xf32, #tpu.memory_space<hbm>>
    tpu.wait_dma2 semaphore(%arg16 : memref<!tpu.dma_semaphore, #tpu.memory_space<semaphore_mem>>) src(%arg10 : memref<128x128xf32, #tpu.memory_space<vmem>>) dst(%dma_wait3A_450 : memref<128x128xf32, #tpu.memory_space<hbm>>)
    %dma_wait3A_451 = arith.constant 0 : i32
    %dma_wait3A_452 = arith.constant 0 : i32
    %dma_wait3A_453 = tpu.memref_slice %arg7[%dma_wait3A_451, %mul3A_2, %dma_wait3A_452] : memref<50x4096x128xf32, #tpu.memory_space<hbm>> -> memref<1x128x128xf32, #tpu.memory_space<hbm>>
    %dma_wait3A_454 = tpu.memref_squeeze %dma_wait3A_453 : memref<1x128x128xf32, #tpu.memory_space<hbm>> -> memref<128x128xf32, #tpu.memory_space<hbm>>
    %dma_wait3A_455 = arith.constant 0 : i32
    %dma_wait3A_456 = tpu.memref_slice %arg7[%dma_wait3A_451, %mul3A_2, %dma_wait3A_455] : memref<50x4096x128xf32, #tpu.memory_space<hbm>> -> memref<1x128x128xf32, #tpu.memory_space<hbm>>
    %dma_wait3A_457 = tpu.memref_squeeze %dma_wait3A_456 : memref<1x128x128xf32, #tpu.memory_space<hbm>> -> memref<128x128xf32, #tpu.memory_space<hbm>>
    tpu.wait_dma2 semaphore(%arg16 : memref<!tpu.dma_semaphore, #tpu.memory_space<semaphore_mem>>) src(%arg11 : memref<128x128xf32, #tpu.memory_space<vmem>>) dst(%dma_wait3A_457 : memref<128x128xf32, #tpu.memory_space<hbm>>)
    return
  }
}

</mosaic_0001>

<sc_bundles>
// kernel: emb_lookup.3.cloned.1.call-start
scs
__scs_entry_jumppad:
0x0: {  	(pc) =	sbr.rel $0x88, $3  }
0x1: {  	(tag) =	ssettag $0x0;
	lr =	simm.s32 $0x1  }
0x2: {  	[smem:$0x3F9D] =	sst lr;
	_ =	strace $0xD0000000  }
0x3: {  	_ = 	snop  }
0x4: {  	_ = 	snop  }
0x5: {  	_ = 	snop  }
0x6: {  	_ = 	snop  }
0x7: {  	_ = 	snop  }
__scs_overlays_trampoline_lowered:
0x8: {  	[smem:$0x3FAC] =	sst s0  }
0x9: {  	[smem:$0x3FAD] =	sst s1  }
0xa: {  	[smem:$0x3FAE] =	sst s2  }
0xb: {  	[smem:$0x3FAF] =	sst s3  }
0xc: {  	[smem:$0x3FB0] =	sst s4  }
0xd: {  	[smem:$0x3FB1] =	sst s5  }
0xe: {  	[smem:$0x3FB2] =	sst s6  }
0xf: {  	[smem:$0x3FB3] =	sst s7  }
0x10: {  	[smem:$0x3FB4] =	sst s8  }
0x11: {  	[smem:$0x3FB5] =	sst s9;
	s0 =	simm.s32 @!p0 $0x0  }
0x12: {  	s1 =	sld [smem:$0x3F9B];
	s0 =	simm.s32 @p0 $0x1  }
0x13: {  	[smem:$0x3FB6] =	sst s0;
	s0 =	simm.s32 @!p1 $0x0  }
0x14: {  	s2 =	sld [smem:$0x3F9A];
	s0 =	simm.s32 @p1 $0x1  }
0x15: {  	[smem:$0x3FB7] =	sst s0;
	s0 =	simm.s32 @!p2 $0x0  }
0x16: {  	s3 =	sld [smem:$0x3FDB];
	s0 =	simm.s32 @p2 $0x1  }
0x17: {  	s4 =	simm.s32 $0x1BF5;
	[smem:$0x3FB9] =	sst s0  }
0x18: {  	s0 =	sld [smem:$0x3F9C];
	_ =	swait.ge [sflag:s4], $0x0  }
0x19: {  	s7 =	sld [smem:$0x3F9D]  }
0x1a: {  	s8 =	sadd.s32 $0xFFFFE003, lr  }
0x1b: {  	s9 =	sadd.s32 $0xFFFFFEF7, lr;
	s5 =	simm.s32 $0xFFFFFFFF;
	p2 =	slt.u32 s8, $0xFFFFF086  }
0x1c: {  	p1 =	slt.u32 s9, $0xF7A;
	s5 =	simm.s32 @!p2 $0x0  }
0x1d: {  	s5 =	simm.s32 @p1 $0x1;
	p0 =	seq.s32 s7, s2  }
0x1e: {  	s7 =	smul.u32 @!p0 $0xF7A, s2;
	p2 =	seq.s32 @!p0 s5, $0x0  }
0x1f: {  	s9 =	smul.u32 $0xF7A, s1;
	s8 =	simm.s32 @!p0 $0x1BF5;
	p2 =	por !p2, p0  }
0x20: {  	[sflag:s8] =	ssyncset.s32 @!p0 $0xFFFFF086;
	s6 =	sadd.s32 @!p0 s3, s7;
	s7 =	simm.s32 @!p0 $0x108  }
0x21: {  	s3 =	sadd.s32 s3, s9;
	s6 =	sadd.s32 @!p0 $0x88, s6;
	s7 =	simm.s32 @p2 $0x1082  }
0x22: {  	[simem:s7], [sflag:s8] =	dma.local @!p0 [hbm:s6], $0xF7A  }
0x23: {  	s9 =	sor.u32 $0xD0000000, s2;
	s6 =	simm.s32 $0x108;
	_ =	swait.ge @!p0 [sflag:s8], $0x0  }
0x24: {  	s3 =	sadd.s32 $0x88, s3;
	s6 =	simm.s32 @!p1 $0x1082;
	[sflag:s4] =	ssyncset.s32 $0xFFFFF086  }
0x25: {  	[simem:s6], [sflag:s4] =	dma.local [hbm:s3], $0xF7A  }
0x26: {  	[smem:$0x3F9D] =	sst s1;
	(tag) =	ssettag s2;
	_ =	strace s9  }
0x27: {  	s1 =	sld [smem:$0x3FAD]  }
0x28: {  	s2 =	sld [smem:$0x3FAE]  }
0x29: {  	s4 =	sld [smem:$0x3FB0]  }
0x2a: {  	p0 =	seq.s32 s5, $0x0;
	s5 =	sld [smem:$0x3FB1]  }
0x2b: {  	s6 =	sld [smem:$0x3FB2]  }
0x2c: {  	s7 =	sld [smem:$0x3FB3]  }
0x2d: {  	s3 =	simm.s32 $0x108;
	s8 =	sld [smem:$0x3FB4]  }
0x2e: {  	s3 =	simm.s32 @!p0 $0x1082;
	s9 =	sld [smem:$0x3FB5]  }
0x2f: {  	lr =	sadd.s32 s0, s3;
	s0 =	sld [smem:$0x3FAC]  }
0x30: {  	s3 =	sld [smem:$0x3FAF]  }
0x31: {  	[smem:$0x3FB8] =	sst s10  }
0x32: {  	s10 =	sld [smem:$0x3FB6];
	_ =	sdelay $0x3  }
0x33: {  	p0 =	seq.s32 s10, $0x1;
	s10 =	sld [smem:$0x3FB8];
	_ =	sdelay $0x3  }
0x34: {  	[smem:$0x3FB8] =	sst s10  }
0x35: {  	s10 =	sld [smem:$0x3FB7];
	_ =	sdelay $0x3  }
0x36: {  	p1 =	seq.s32 s10, $0x1;
	s10 =	sld [smem:$0x3FB8];
	_ =	sdelay $0x3  }
0x37: {  	[smem:$0x3FB8] =	sst s10  }
0x38: {  	s10 =	sld [smem:$0x3FB9]  }
0x39: {  	_ = 	snop;
	(pc) =	sbr.ind lr, $3  }
0x3a: {  	_ = 	snop  }
0x3b: {  	_ = 	snop  }
0x3c: {  	p2 =	seq.s32 s10, $0x1;
	s10 =	sld [smem:$0x3FB8]  }
0x3d: {  	_ =	shalt  }
0x3e: {  	_ =	shalt  }
0x3f: {  	_ =	shalt  }
0x40: {  	_ =	shalt  }
0x41: {  	_ =	shalt  }
0x42: {  	_ =	shalt  }
0x43: {  	_ =	shalt  }
0x44: {  	_ =	shalt  }
0x45: {  	_ =	shalt  }
0x46: {  	_ =	shalt  }
0x47: {  	_ =	shalt  }
0x48: {  	_ =	shalt  }
0x49: {  	_ =	shalt  }
0x4a: {  	_ =	shalt  }
0x4b: {  	_ =	shalt  }
0x4c: {  	_ =	shalt  }
0x4d: {  	_ =	shalt  }
0x4e: {  	_ =	shalt  }
0x4f: {  	_ =	shalt  }
0x50: {  	_ =	shalt  }
0x51: {  	_ =	shalt  }
0x52: {  	_ =	shalt  }
0x53: {  	_ =	shalt  }
0x54: {  	_ =	shalt  }
0x55: {  	_ =	shalt  }
0x56: {  	_ =	shalt  }
0x57: {  	_ =	shalt  }
0x58: {  	_ =	shalt  }
0x59: {  	_ =	shalt  }
0x5a: {  	_ =	shalt  }
0x5b: {  	_ =	shalt  }
0x5c: {  	_ =	shalt  }
0x5d: {  	_ =	shalt  }
0x5e: {  	_ =	shalt  }
0x5f: {  	_ =	shalt  }
0x60: {  	_ =	shalt  }
0x61: {  	_ =	shalt  }
0x62: {  	_ =	shalt  }
0x63: {  	_ =	shalt  }
0x64: {  	_ =	shalt  }
0x65: {  	_ =	shalt  }
0x66: {  	_ =	shalt  }
0x67: {  	_ =	shalt  }
0x68: {  	_ =	shalt  }
0x69: {  	_ =	shalt  }
0x6a: {  	_ =	shalt  }
0x6b: {  	_ =	shalt  }
0x6c: {  	_ =	shalt  }
0x6d: {  	_ =	shalt  }
0x6e: {  	_ =	shalt  }
0x6f: {  	_ =	shalt  }
0x70: {  	_ =	shalt  }
0x71: {  	_ =	shalt  }
0x72: {  	_ =	shalt  }
0x73: {  	_ =	shalt  }
0x74: {  	_ =	shalt  }
0x75: {  	_ =	shalt  }
0x76: {  	_ =	shalt  }
0x77: {  	_ =	shalt  }
0x78: {  	_ =	shalt  }
0x79: {  	_ =	shalt  }
0x7a: {  	_ =	shalt  }
0x7b: {  	_ =	shalt  }
0x7c: {  	_ =	shalt  }
0x7d: {  	_ =	shalt  }
0x7e: {  	_ =	shalt  }
0x7f: {  	_ =	shalt  }
0x80: {  	_ =	shalt  }
0x81: {  	_ =	shalt  }
0x82: {  	_ =	shalt  }
0x83: {  	_ =	shalt  }
0x84: {  	_ =	shalt  }
0x85: {  	_ =	shalt  }
0x86: {  	_ =	shalt  }
0x87: {  	_ =	shalt  }
.Lfunc_end0:
.L_simem_size_0:
called_computation_lowered:
.L_overlay_start_0:
0x88: {  	s2 =	sld [smem:$0x3FD9]  }
0x89: {  	s3 =	sld [smem:$0x3FFE];
	_ =	sdelay $0x1  }
0x8a: {  	s1 =	srdreg.scid  }
0x8b: {  	s0 =	sand.u32 $0x1, s1  }
0x8c: {  	s15 =	sshll.u32 s0, $0xA;
	s2 =	sadd.s32 s3, s2  }
0x8d: {  	s2 =	sadd.s32 s2, s15  }
0x8e: {  	[smem:$0x3FC4] =	sst s2  }
0x8f: {  	_ = 	snop  }
0x90: {  	s2 =	sld [smem:$0x3FC9]  }
0x91: {  	s16 =	sld [smem:$0x3FD0]  }
0x92: {  	s4 =	sld [smem:$0x3FC8]  }
0x93: {  	s5 =	sld [smem:$0x3FC7]  }
0x94: {  	s7 =	simm.s32 $0xA;
	s8 =	simm.s32 $0x10;
	s6 =	sld [smem:$0x3FC6]  }
0x95: {  	[smem:s8], [sflag:s7] =	dma.local [hbm:s16], $0x1  }
0x96: {  	_ =	swait.eq [sflag:s7], $0x1  }
0x97: {  	[sflag:s7] =	ssyncset.done $0x0  }
0x98: {  	s17 =	sld [smem:$0x10];
	[sflag:s7] =	ssyncadd.s32 $0xFFFFFFFF  }
0x99: {  	s18 =	sld [smem:$0x11];
	(tm) =	ssettm $0x1  }
0x9a: {  	s19 =	sld [smem:$0x3FFB];
	_ =	sdelay $0x3  }
0x9b: {  	_ =	strace s19  }
0x9c: {  	s8 =	sld [smem:$0x3FFC];
	_ =	sdelay $0x3  }
0x9d: {  	_ =	strace s8  }
0x9e: {  	s8 =	sld [smem:$0x3FFD];
	_ =	sdelay $0x3  }
0x9f: {  	_ =	strace s8  }
0xa0: {  	_ =	strace $0x8FFFFFFF  }
0xa1: {  	s20 =	sld [smem:$0x3FDB];
	_ =	sdelay $0x1  }
0xa2: {  	s9 =	simm.s32 $_scs_section_size  }
0xa3: {  	s10 =	simm.s32 $_size__tile_overlayer_lowered;
	s11 =	simm.s32 $_tile_overlayer_lowered  }
0xa4: {  	s23 =	simm.s32 $0x1BFF;
	s22 =	sshll.u32 s11, $0x1;
	s8 =	sadd.s32 s9, s20  }
0xa5: {  	s12 =	simm.s32 $0x0;
	s21 =	sshll.u32 s10, $0x1;
	s10 =	sadd.s32 s22, s8  }
0xa6: {  	[timem:s12], [sflag:s23] =	dma.local [hbm:s10], s21  }
0xa7: {  	_ =	swait.ge [sflag:s23], s21  }
0xa8: {  	s9 =	ssub.s32 $0x0, s21;
	[sflag:s23] =	ssyncset.done $0x0  }
0xa9: {  	[sflag:s23] =	ssyncadd.s32 s9;
	_ =	sdelay $0x1  }
0xaa: {  	s24 =	simm.s32 $0x1B8B  }
0xab: {  	_ =	swait.ge [sflag:s24], $0x1  }
0xac: {  	[sflag:s24] =	ssyncset.done $0x0  }
0xad: {  	s25 =	simm.s32 $0x1B8E;
	[sflag:s24] =	ssyncadd.s32 $0xFFFFFFFF  }
0xae: {  	s26 =	simm.s32 $execute0_lowered;
	[smem:$0x3FD2] =	sst s25  }
0xaf: {  	s9 =	sshll.u32 s26, $0x1;
	_ =	strace $0x80000046;
	[dreg:$0x1] =	wrdreg $0xFFFFFFFF  }
0xb0: {  	s28 =	simm.s32 $_size_execute0_lowered;
	s8 =	sadd.s32 s8, s9;
	[dreg:$0x0] =	wrdreg $0x0  }
0xb1: {  	s9 =	sshll.u32 s28, $0x1;
	[dreg:$0x2] =	wrdreg s8  }
0xb2: {  	[dreg:$0x3] =	wrdreg s9  }
0xb3: {  	[dreg:$0x4] =	wrdreg $0xC0  }
0xb4: {  	_ =	task [dreg:s12], $0x5FFFF  }
0xb5: {  	[dreg:$0x1] =	wrdreg $0xFFFFFFFF  }
0xb6: {  	[dreg:$0x0] =	wrdreg $0x60  }
0xb7: {  	[dreg:$0x2] =	wrdreg s2  }
0xb8: {  	[dreg:$0x3] =	wrdreg s4  }
0xb9: {  	[dreg:$0x4] =	wrdreg s5  }
0xba: {  	[dreg:$0x5] =	wrdreg s6  }
0xbb: {  	[dreg:$0x6] =	wrdreg s17  }
0xbc: {  	[dreg:$0x7] =	wrdreg s18  }
0xbd: {  	[dreg:$0x8] =	wrdreg $0x9  }
0xbe: {  	_ =	task.clear_ibuf [dreg:s12], $0x9FFFF;
	_ =	strace $0x90000046  }
0xbf: {  	s29 =	simm.s32 $0x9;
	_ =	strace $0x80000048  }
0xc0: {  	_ =	swait.ge [sflag:s29], $0x1  }
0xc1: {  	[sflag:s29] =	ssyncadd.s32 $0xFFFFFFFF  }
0xc2: {  	_ =	strace $0x90000048  }
0xc3: {  	_ =	sfence  }
0xc4: {  	s30 =	sld [smem:$0x0];
	_ =	sdelay $0x2  }
0xc5: {  	s31 =	sshll.u32 s1, $0xD;
	s1 =	sshrl.u32 s1, $0x2  }
0xc6: {  	s3 =	sand.u32 $0x4000, s31;
	s1 =	sadd.s32 s1, s30  }
0xc7: {  	s0 =	sor.u32 s3, s0;
	s1 =	sshll.u32 s1, $0x11  }
0xc8: {  	s0 =	sor.u32 s1, s0  }
0xc9: {  	s0 =	sadd.s32 $0x8F2B, s0  }
0xca: {  	[sflag:s0] =	ssyncadd.remote.s32 $0x1  }
0xcb: {  	_ =	sfence.sel $0xFFFF  }
0xcc: {  	[dreg:$0x0] =	wrdreg $0xFFFFFFFF;
	(pc) =	sbr.abs _section_cstart, $3  }
0xcd: {  	[dreg:$0x1] =	wrdreg $0xFFFFFFFF  }
0xce: {  	_ =	task.clear_ibuf [dreg:s12], $0x2FFFF;
	_ =	strace $0x9FFFFFFF  }
0xcf: {  	(tm) =	ssettm $0x7FFFFFFF  }
tec
execute0_lowered:
.L_overlay_start_1:
0x0: {  	(tag) =	ssettag $0x1  }
0x1: {  	s0 =	rddreg [dreg:$0x0]  }
0x2: {  	s5 =	rddreg [dreg:$0x1]  }
0x3: {  	s1 =	rddreg [dreg:$0x2]  }
0x4: {  	s2 =	rddreg [dreg:$0x3]  }
0x5: {  	s3 =	rddreg [dreg:$0x4]  }
0x6: {  	s4 =	rddreg [dreg:$0x5];
	s6 =	simm.s32 $0x0;
	s7 =	srdreg.scid  }
0x7: {  	s16 =	stileid.u32;
	s31 =	simm.s32 $0x400;
	s7 =	sand.u32 $0x1, s7  }
0x8: {  	[smem:$0x7FF] =	sst s6;
	s9 =	sshll.u32 s16, $0x8;
	s10 =	sshll.u32 s7, $0x7  }
0x9: {  	s24 =	sshll.u32 s16, $0xF;
	s8 =	ssub.s32 $0x2, s7;
	s9 =	sor.u32 s10, s9  }
0xa: {  	_ =	strace $0x80000047;
	s11 =	sshrl.u32 s8, $0x1;
	s5 =	sadd.s32 s5, s9  }
0xb: {  	s17 =	sadd.s32 s0, s9;
	s29 =	sshll.u32 s9, $0x4;
	[dreg:$0xe] =	wrdreg s5  }
0xc: {  	s8 =	ssub.s32 s8, s11;
	s30 =	sadd.s32 s3, s29;
	[dreg:$0x7] =	wrdreg s17  }
0xd: {  	s11 =	sor.u32 $0x10000, s29;
	s0 =	sadd.s32 s4, s29;
	[dreg:$0x8] =	wrdreg s30  }
0xe: {  	s18 =	sor.u32 $0x20000, s29;
	s12 =	sadd.s32 s3, s11;
	[dreg:$0x10] =	wrdreg s0  }
0xf: {  	s20 =	sor.u32 $0x2D0000, s29;
	s19 =	sadd.s32 s3, s18;
	[dreg:$0x9] =	wrdreg s12  }
0x10: {  	s21 =	sor.u32 $0x2E0000, s29;
	s13 =	sadd.s32 s3, s20;
	[dreg:$0xa] =	wrdreg s19  }
0x11: {  	s14 =	sor.u32 $0x2F0000, s29;
	s15 =	sadd.s32 s3, s21;
	[dreg:$0xb] =	wrdreg s13  }
0x12: {  	s23 =	sor.u32 $0x300000, s29;
	s22 =	sadd.s32 s3, s14;
	[dreg:$0xc] =	wrdreg s15  }
0x13: {  	s7 =	sshll.u32 s7, $0xE;
	s25 =	sadd.s32 s3, s23;
	[dreg:$0xd] =	wrdreg s22  }
0x14: {  	s5 =	sor.u32 s7, s24;
	s28 =	sadd.s32 s4, s11;
	[dreg:$0xf] =	wrdreg s25  }
0x15: {  	s26 =	sor.u32 $0x310000, s29;
	s29 =	sadd.s32 s4, s18;
	[dreg:$0x11] =	wrdreg s28  }
0x16: {  	s30 =	sadd.s32 s4, s20;
	s9 =	sadd.s32 s4, s21;
	[dreg:$0x12] =	wrdreg s29  }
0x17: {  	s10 =	sadd.s32 s4, s14;
	s11 =	sadd.s32 s4, s23;
	[dreg:$0x13] =	wrdreg s30  }
0x18: {  	s14 =	smax.u32 s8, $0x1;
	s16 =	sor.u32 $0x200000, s5;
	[dreg:$0x14] =	wrdreg s9  }
0x19: {  	s18 =	sor.u32 $0x180000, s5;
	s20 =	sor.u32 $0x380000, s5;
	[dreg:$0x15] =	wrdreg s10  }
0x1a: {  	[dreg:$0x16] =	wrdreg s11;
	s12 =	sadd.s32 s3, s26;
	s13 =	sadd.s32 s4, s26  }
0x1b: {  	[dreg:$0x19] =	wrdreg s14;
	s15 =	sor.u32 $0x280000, s5;
	s7 =	sshrl.u32 s16, $0x3  }
0x1c: {  	s8 =	sshrl.u32 s18, $0x3;
	s19 =	sor.u32 $0x400000, s5;
	s21 =	sshrl.u32 s20, $0x3  }
0x1d: {  	s26 =	sor.u32 $0x300000, s5;
	s30 =	sadd.s32 $0x6000, s17;
	s16 =	simm.s32 $0x3  }
0x1e: {  	s17 =	simm.s32 $0x80;
	s18 =	simm.s32 $0x1C00;
	[dreg:$0x17] =	wrdreg s12  }
0x1f: {  	s20 =	simm.s32 $0x15C00;
	[dreg:$0x18] =	wrdreg s13;
	s0 =	sshrl.u32 s15, $0x3  }
0x20: {  	s9 =	sshrl.u32 s19, $0x3;
	s23 =	sadd.s32 s7, s3;
	s24 =	sadd.s32 s7, s4  }
0x21: {  	s25 =	sadd.s32 s8, s3;
	s28 =	sadd.s32 s8, s4;
	[smem:$0x7FD] =	sst s30  }
0x22: {  	s10 =	sadd.s32 s21, s3;
	s11 =	sadd.s32 s21, s4;
	[dreg:$0x1c] =	wrdreg s23  }
0x23: {  	s7 =	simm.s32 $0x1800;
	s19 =	simm.s32 $0x5C00;
	[dreg:$0x1d] =	wrdreg s24  }
0x24: {  	s21 =	simm.s32 $0x9C00;
	s13 =	simm.s32 $0x11C00;
	[dreg:$0x1e] =	wrdreg s25  }
0x25: {  	s12 =	simm.s32 $0x2;
	s22 =	sadd.s32 s0, s3;
	[dreg:$0x1f] =	wrdreg s28  }
0x26: {  	s0 =	sadd.s32 s0, s4;
	s29 =	sadd.s32 s9, s3;
	[dreg:$0x1a] =	wrdreg s22  }
0x27: {  	s9 =	sadd.s32 s9, s4;
	s24 =	simm.s32 $0xDC00;
	[dreg:$0x1b] =	wrdreg s0  }
0x28: {  	s25 =	simm.s32 $0x0;
	[smem:$0x7FC] =	sst s29;
	s22 =	simm.s32 $0x1  }
.LBB2_1:
0x29: {  	s0 =	rddreg [dreg:$0x7]  }
0x2a: {  	s5 =	simm.s32 $0x8000;
	s15 =	sld [smem:$0x7FD]  }
0x2b: {  	[tilespmem:s6], [sflag:$0x3] =	stream.strided.gather [hbm4b:s0+s31], $0x1800, s5, s31, $0x38;
	[tilespmem:$0x19C00] =	vst v63  }
0x2c: {  	_ = 	snop  }
0x2d: {  	[tilespmem:s7], [sflag:$0x3] =	stream.linear.gather [hbm4b:s15+s6], $0x100, $0x38;
	[tilespmem:$0x19C00] =	vst v63  }
0x2e: {  	_ =	swait.ge [sflag:s16], $0x1900  }
0x2f: {  	[sflag:s16] =	ssyncset.done $0x0  }
0x30: {  	[sflag:s16] =	ssyncadd.s32 $0xFFFFE700  }
0x31: {  	[tilespmem:s18], [sflag:$0x1] =	stream.indirect.gather [hbm4b:s1+s17], $0x80, s6, s17, $0xb8;
	[tilespmem:$0x19C00] =	vst v63  }
0x32: {  	_ = 	snop  }
0x33: {  	[tilespmem:s19], [sflag:$0x1] =	stream.indirect.gather [hbm4b:s1+s17], $0x80, s17, s17, $0xb8;
	[tilespmem:$0x19C00] =	vst v63  }
0x34: {  	s23 =	simm.s32 $0x100  }
0x35: {  	[tilespmem:s21], [sflag:$0x1] =	stream.indirect.gather [hbm4b:s1+s17], $0x80, s23, s17, $0xb8;
	[tilespmem:$0x19C00] =	vst v63  }
0x36: {  	_ =	swait.ge [sflag:s22], $0x4000  }
0x37: {  	[sflag:s22] =	ssyncset.done $0x0  }
0x38: {  	s5 =	rddreg [dreg:$0x8];
	[sflag:s22] =	ssyncadd.s32 $0xFFFFC000  }
0x39: {  	[hbm4b:s5+s6] =	stream.linear.scatter [tilespmem:s18], [sflag:$0x2], $0x4000, $0x38;
	[tilespmem:$0x19C00] =	vst v63  }
0x3a: {  	s8 =	simm.s32 $0x180  }
0x3b: {  	[tilespmem:s24], [sflag:$0x1] =	stream.indirect.gather [hbm4b:s1+s17], $0x80, s8, s17, $0xb8;
	[tilespmem:$0x19C00] =	vst v63  }
0x3c: {  	_ =	swait.ge [sflag:s22], $0x4000  }
0x3d: {  	[sflag:s22] =	ssyncset.done $0x0  }
0x3e: {  	s14 =	rddreg [dreg:$0x9];
	[sflag:s22] =	ssyncadd.s32 $0xFFFFC000  }
0x3f: {  	[hbm4b:s14+s6] =	stream.linear.scatter [tilespmem:s19], [sflag:$0x2], $0x4000, $0x38;
	[tilespmem:$0x19C00] =	vst v63  }
0x40: {  	s15 =	simm.s32 $0x200  }
0x41: {  	[tilespmem:s13], [sflag:$0x1] =	stream.indirect.gather [hbm4b:s1+s17], $0x80, s15, s17, $0xb8;
	[tilespmem:$0x19C00] =	vst v63  }
0x42: {  	_ =	swait.ge [sflag:s22], $0x4000  }
0x43: {  	[sflag:s22] =	ssyncset.done $0x0  }
0x44: {  	s23 =	rddreg [dreg:$0xa];
	[sflag:s22] =	ssyncadd.s32 $0xFFFFC000  }
0x45: {  	[hbm4b:s23+s6] =	stream.linear.scatter [tilespmem:s21], [sflag:$0x2], $0x4000, $0x38;
	[tilespmem:$0x19C00] =	vst v63  }
0x46: {  	s5 =	simm.s32 $0x280  }
0x47: {  	[tilespmem:s20], [sflag:$0x1] =	stream.indirect.gather [hbm4b:s1+s17], $0x80, s5, s17, $0xb8;
	[tilespmem:$0x19C00] =	vst v63  }
0x48: {  	_ =	swait.ge [sflag:s22], $0x4000  }
0x49: {  	[sflag:s22] =	ssyncset.done $0x0  }
0x4a: {  	s31 =	rddreg [dreg:$0x1e];
	[sflag:s22] =	ssyncadd.s32 $0xFFFFC000  }
0x4b: {  	[hbm4b:s31+s6] =	stream.linear.scatter [tilespmem:s24], [sflag:$0x2], $0x4000, $0x38;
	[tilespmem:$0x19C00] =	vst v63  }
0x4c: {  	_ =	swait.ge [sflag:s12], $0x4000  }
0x4d: {  	[sflag:s12] =	ssyncset.done $0x0  }
0x4e: {  	s8 =	simm.s32 $0x300;
	[sflag:s12] =	ssyncadd.s32 $0xFFFFC000  }
0x4f: {  	[tilespmem:s18], [sflag:$0x1] =	stream.indirect.gather [hbm4b:s1+s17], $0x80, s8, s17, $0xb8;
	[tilespmem:$0x19C00] =	vst v63  }
0x50: {  	_ =	swait.ge [sflag:s22], $0x4000  }
0x51: {  	[sflag:s22] =	ssyncset.done $0x0  }
0x52: {  	s5 =	rddreg [dreg:$0x1c];
	[sflag:s22] =	ssyncadd.s32 $0xFFFFC000  }
0x53: {  	[hbm4b:s5+s6] =	stream.linear.scatter [tilespmem:s13], [sflag:$0x2], $0x4000, $0x38;
	[tilespmem:$0x19C00] =	vst v63  }
0x54: {  	_ =	swait.ge [sflag:s12], $0x4000  }
0x55: {  	[sflag:s12] =	ssyncset.done $0x0  }
0x56: {  	s14 =	simm.s32 $0x380;
	[sflag:s12] =	ssyncadd.s32 $0xFFFFC000  }
0x57: {  	[tilespmem:s19], [sflag:$0x1] =	stream.indirect.gather [hbm4b:s1+s17], $0x80, s14, s17, $0xb8;
	[tilespmem:$0x19C00] =	vst v63  }
0x58: {  	_ =	swait.ge [sflag:s22], $0x4000  }
0x59: {  	[sflag:s22] =	ssyncset.done $0x0  }
0x5a: {  	s8 =	rddreg [dreg:$0x1a];
	[sflag:s22] =	ssyncadd.s32 $0xFFFFC000  }
0x5b: {  	[hbm4b:s8+s6] =	stream.linear.scatter [tilespmem:s20], [sflag:$0x2], $0x4000, $0x38;
	[tilespmem:$0x19C00] =	vst v63  }
0x5c: {  	_ =	swait.ge [sflag:s12], $0x4000  }
0x5d: {  	[sflag:s12] =	ssyncset.done $0x0  }
0x5e: {  	s15 =	simm.s32 $0x400;
	[sflag:s12] =	ssyncadd.s32 $0xFFFFC000  }
0x5f: {  	[tilespmem:s21], [sflag:$0x1] =	stream.indirect.gather [hbm4b:s1+s17], $0x80, s15, s17, $0xb8;
	[tilespmem:$0x19C00] =	vst v63  }
0x60: {  	_ =	swait.ge [sflag:s22], $0x4000  }
0x61: {  	s15 =	sshrl.u32 s26, $0x3;
	[sflag:s22] =	ssyncset.done $0x0  }
0x62: {  	s23 =	sadd.s32 s3, s15;
	[sflag:s22] =	ssyncadd.s32 $0xFFFFC000  }
0x63: {  	[hbm4b:s23+s6] =	stream.linear.scatter [tilespmem:s18], [sflag:$0x2], $0x4000, $0x38;
	[tilespmem:$0x19C00] =	vst v63  }
0x64: {  	_ =	swait.ge [sflag:s12], $0x4000  }
0x65: {  	[sflag:s12] =	ssyncset.done $0x0  }
0x66: {  	s14 =	simm.s32 $0x480;
	[sflag:s12] =	ssyncadd.s32 $0xFFFFC000  }
0x67: {  	[tilespmem:s24], [sflag:$0x1] =	stream.indirect.gather [hbm4b:s1+s17], $0x80, s14, s17, $0xb8;
	[tilespmem:$0x19C00] =	vst v63  }
0x68: {  	_ =	swait.ge [sflag:s22], $0x4000  }
0x69: {  	[sflag:s22] =	ssyncset.done $0x0  }
0x6a: {  	[sflag:s22] =	ssyncadd.s32 $0xFFFFC000  }
0x6b: {  	[hbm4b:s10+s6] =	stream.linear.scatter [tilespmem:s19], [sflag:$0x2], $0x4000, $0x38;
	[tilespmem:$0x19C00] =	vst v63  }
0x6c: {  	_ =	swait.ge [sflag:s12], $0x4000  }
0x6d: {  	[sflag:s12] =	ssyncset.done $0x0  }
0x6e: {  	s23 =	simm.s32 $0x500;
	[sflag:s12] =	ssyncadd.s32 $0xFFFFC000  }
0x6f: {  	[tilespmem:s13], [sflag:$0x1] =	stream.indirect.gather [hbm4b:s1+s17], $0x80, s23, s17, $0xb8;
	[tilespmem:$0x19C00] =	vst v63  }
0x70: {  	_ =	swait.ge [sflag:s22], $0x4000  }
0x71: {  	s0 =	sld [smem:$0x7FC]  }
0x72: {  	[sflag:s22] =	ssyncset.done $0x0  }
0x73: {  	s29 =	sadd.s32 $0x60000, s10;
	s31 =	sadd.s32 $0x60000, s31;
	[sflag:s22] =	ssyncadd.s32 $0xFFFFC000  }
0x74: {  	[hbm4b:s0+s6] =	stream.linear.scatter [tilespmem:s21], [sflag:$0x2], $0x4000, $0x38;
	[tilespmem:$0x19C00] =	vst v63  }
0x75: {  	s30 =	sadd.s32 $0x60000, s5;
	s5 =	simm.s32 $0x580;
	_ =	swait.ge [sflag:s12], $0x4000  }
0x76: {  	s14 =	sadd.s32 $0x300000, s26;
	s23 =	simm.s32 $0xC00;
	[sflag:s12] =	ssyncset.done $0x0  }
0x77: {  	s28 =	sadd.s32 $0x60000, s0;
	s0 =	sadd.s32 $0x60000, s8;
	[sflag:s12] =	ssyncadd.s32 $0xFFFFC000  }
.LBB2_2:
0x78: {  	[tilespmem:s20], [sflag:$0x1] =	stream.indirect.gather [hbm4b:s1+s17], $0x80, s5, s17, $0xb8;
	[tilespmem:$0x19C00] =	vst v63  }
0x79: {  	s5 =	smov.u32 s23  }
0x7a: {  	p0 =	sne.s32 s23, $0x4800;
	s23 =	sadd.s32 $0xC00, s23;
	_ =	swait.ge [sflag:s22], $0x4000  }
0x7b: {  	[sflag:s22] =	ssyncset.done $0x0  }
0x7c: {  	[sflag:s22] =	ssyncadd.s32 $0xFFFFC000  }
0x7d: {  	[hbm4b:s31+s6] =	stream.linear.scatter [tilespmem:s24], [sflag:$0x2], $0x4000, $0x38;
	[tilespmem:$0x19C00] =	vst v63  }
0x7e: {  	_ =	swait.ge [sflag:s12], $0x4000  }
0x7f: {  	s5 =	sshra.s32 s5, $0x2;
	[sflag:s12] =	ssyncset.done $0x0  }
0x80: {  	s8 =	sadd.s32 $0x300, s5;
	[sflag:s12] =	ssyncadd.s32 $0xFFFFC000  }
0x81: {  	[tilespmem:s18], [sflag:$0x1] =	stream.indirect.gather [hbm4b:s1+s17], $0x80, s8, s17, $0xb8;
	[tilespmem:$0x19C00] =	vst v63  }
0x82: {  	_ =	swait.ge [sflag:s22], $0x4000  }
0x83: {  	[sflag:s22] =	ssyncset.done $0x0  }
0x84: {  	[sflag:s22] =	ssyncadd.s32 $0xFFFFC000  }
0x85: {  	[hbm4b:s30+s6] =	stream.linear.scatter [tilespmem:s13], [sflag:$0x2], $0x4000, $0x38;
	[tilespmem:$0x19C00] =	vst v63  }
0x86: {  	_ =	swait.ge [sflag:s12], $0x4000  }
0x87: {  	[sflag:s12] =	ssyncset.done $0x0  }
0x88: {  	s8 =	sadd.s32 $0x380, s5;
	[sflag:s12] =	ssyncadd.s32 $0xFFFFC000  }
0x89: {  	[tilespmem:s19], [sflag:$0x1] =	stream.indirect.gather [hbm4b:s1+s17], $0x80, s8, s17, $0xb8;
	[tilespmem:$0x19C00] =	vst v63  }
0x8a: {  	_ =	swait.ge [sflag:s22], $0x4000  }
0x8b: {  	[sflag:s22] =	ssyncset.done $0x0  }
0x8c: {  	[sflag:s22] =	ssyncadd.s32 $0xFFFFC000  }
0x8d: {  	[hbm4b:s0+s6] =	stream.linear.scatter [tilespmem:s20], [sflag:$0x2], $0x4000, $0x38;
	[tilespmem:$0x19C00] =	vst v63  }
0x8e: {  	_ =	swait.ge [sflag:s12], $0x4000  }
0x8f: {  	[sflag:s12] =	ssyncset.done $0x0  }
0x90: {  	s8 =	sadd.s32 $0x400, s5;
	[sflag:s12] =	ssyncadd.s32 $0xFFFFC000  }
0x91: {  	[tilespmem:s21], [sflag:$0x1] =	stream.indirect.gather [hbm4b:s1+s17], $0x80, s8, s17, $0xb8;
	[tilespmem:$0x19C00] =	vst v63  }
0x92: {  	_ =	swait.ge [sflag:s22], $0x4000  }
0x93: {  	s8 =	sshrl.u32 s14, $0x3;
	[sflag:s22] =	ssyncset.done $0x0  }
0x94: {  	s8 =	sadd.s32 s3, s8;
	[sflag:s22] =	ssyncadd.s32 $0xFFFFC000  }
0x95: {  	[hbm4b:s8+s6] =	stream.linear.scatter [tilespmem:s18], [sflag:$0x2], $0x4000, $0x38;
	[tilespmem:$0x19C00] =	vst v63  }
0x96: {  	_ =	swait.ge [sflag:s12], $0x4000  }
0x97: {  	[sflag:s12] =	ssyncset.done $0x0  }
0x98: {  	s8 =	sadd.s32 $0x480, s5;
	[sflag:s12] =	ssyncadd.s32 $0xFFFFC000  }
0x99: {  	[tilespmem:s24], [sflag:$0x1] =	stream.indirect.gather [hbm4b:s1+s17], $0x80, s8, s17, $0xb8;
	[tilespmem:$0x19C00] =	vst v63  }
0x9a: {  	_ =	swait.ge [sflag:s22], $0x4000  }
0x9b: {  	[sflag:s22] =	ssyncset.done $0x0  }
0x9c: {  	[sflag:s22] =	ssyncadd.s32 $0xFFFFC000  }
0x9d: {  	[hbm4b:s29+s6] =	stream.linear.scatter [tilespmem:s19], [sflag:$0x2], $0x4000, $0x38;
	[tilespmem:$0x19C00] =	vst v63  }
0x9e: {  	_ =	swait.ge [sflag:s12], $0x4000  }
0x9f: {  	[sflag:s12] =	ssyncset.done $0x0  }
0xa0: {  	s8 =	sadd.s32 $0x500, s5;
	[sflag:s12] =	ssyncadd.s32 $0xFFFFC000  }
0xa1: {  	[tilespmem:s13], [sflag:$0x1] =	stream.indirect.gather [hbm4b:s1+s17], $0x80, s8, s17, $0xb8;
	[tilespmem:$0x19C00] =	vst v63  }
0xa2: {  	_ =	swait.ge [sflag:s22], $0x4000  }
0xa3: {  	[sflag:s22] =	ssyncset.done $0x0  }
.Ltmp0:
0xa4: {  	s14 =	sadd.s32 $0x300000, s14;
	[sflag:s22] =	ssyncadd.s32 $0xFFFFC000;
	(pc) =	sbr.rel @p0 .LBB2_2-.Ltmp0, $4  }
0xa5: {  	[hbm4b:s28+s6] =	stream.linear.scatter [tilespmem:s21], [sflag:$0x2], $0x4000, $0x38;
	[tilespmem:$0x19C00] =	vst v63  }
0xa6: {  	s29 =	sadd.s32 $0x60000, s29;
	s28 =	sadd.s32 $0x60000, s28;
	_ =	swait.ge [sflag:s12], $0x4000  }
0xa7: {  	s31 =	sadd.s32 $0x60000, s31;
	s30 =	sadd.s32 $0x60000, s30;
	[sflag:s12] =	ssyncset.done $0x0  }
0xa8: {  	s0 =	sadd.s32 $0x60000, s0;
	s5 =	sadd.s32 $0x580, s5;
	[sflag:s12] =	ssyncadd.s32 $0xFFFFC000  }
0xa9: {  	[tilespmem:s20], [sflag:$0x1] =	stream.indirect.gather [hbm4b:s1+s17], $0x80, s5, s17, $0xb8;
	[tilespmem:$0x19C00] =	vst v63  }
0xaa: {  	_ =	swait.ge [sflag:s22], $0x4000  }
0xab: {  	[sflag:s22] =	ssyncset.done $0x0  }
0xac: {  	s0 =	simm.s32 $0x0;
	s23 =	rddreg [dreg:$0xb];
	[sflag:s22] =	ssyncadd.s32 $0xFFFFC000  }
0xad: {  	[hbm4b:s23+s0] =	stream.linear.scatter [tilespmem:s24], [sflag:$0x2], $0x4000, $0x38;
	[tilespmem:$0x19C00] =	vst v63  }
0xae: {  	_ =	swait.ge [sflag:s12], $0x4000  }
0xaf: {  	[sflag:s12] =	ssyncset.done $0x0  }
0xb0: {  	[sflag:s12] =	ssyncadd.s32 $0xFFFFC000  }
0xb1: {  	[tilespmem:s18], [sflag:$0x1] =	stream.indirect.gather [hbm4b:s1+s17], $0x80, s7, s17, $0xb8;
	[tilespmem:$0x19C00] =	vst v63  }
0xb2: {  	_ =	swait.ge [sflag:s22], $0x4000  }
0xb3: {  	[sflag:s22] =	ssyncset.done $0x0  }
0xb4: {  	s8 =	rddreg [dreg:$0xc];
	[sflag:s22] =	ssyncadd.s32 $0xFFFFC000  }
0xb5: {  	[hbm4b:s8+s0] =	stream.linear.scatter [tilespmem:s13], [sflag:$0x2], $0x4000, $0x38;
	[tilespmem:$0x19C00] =	vst v63  }
0xb6: {  	_ =	swait.ge [sflag:s12], $0x4000  }
0xb7: {  	[sflag:s12] =	ssyncset.done $0x0  }
0xb8: {  	s14 =	simm.s32 $0x1880;
	[sflag:s12] =	ssyncadd.s32 $0xFFFFC000  }
0xb9: {  	[tilespmem:s19], [sflag:$0x1] =	stream.indirect.gather [hbm4b:s1+s17], $0x80, s14, s17, $0xb8;
	[tilespmem:$0x19C00] =	vst v63  }
0xba: {  	_ =	swait.ge [sflag:s22], $0x4000  }
0xbb: {  	[sflag:s22] =	ssyncset.done $0x0  }
0xbc: {  	s23 =	rddreg [dreg:$0xd];
	[sflag:s22] =	ssyncadd.s32 $0xFFFFC000  }
0xbd: {  	[hbm4b:s23+s0] =	stream.linear.scatter [tilespmem:s20], [sflag:$0x2], $0x4000, $0x38;
	[tilespmem:$0x19C00] =	vst v63  }
0xbe: {  	_ =	swait.ge [sflag:s12], $0x4000  }
0xbf: {  	[sflag:s12] =	ssyncset.done $0x0  }
0xc0: {  	[sflag:s12] =	ssyncadd.s32 $0xFFFFC000  }
0xc1: {  	_ =	swait.ge [sflag:s22], $0x4000  }
0xc2: {  	[sflag:s22] =	ssyncset.done $0x0  }
0xc3: {  	s8 =	rddreg [dreg:$0xf];
	[sflag:s22] =	ssyncadd.s32 $0xFFFFC000  }
0xc4: {  	[hbm4b:s8+s0] =	stream.linear.scatter [tilespmem:s18], [sflag:$0x2], $0x4000, $0x38;
	[tilespmem:$0x19C00] =	vst v63  }
0xc5: {  	_ =	swait.ge [sflag:s12], $0x4000  }
0xc6: {  	[sflag:s12] =	ssyncset.done $0x0  }
0xc7: {  	[sflag:s12] =	ssyncadd.s32 $0xFFFFC000  }
0xc8: {  	_ =	swait.ge [sflag:s22], $0x4000  }
0xc9: {  	[sflag:s22] =	ssyncset.done $0x0  }
0xca: {  	s14 =	rddreg [dreg:$0x17];
	[sflag:s22] =	ssyncadd.s32 $0xFFFFC000  }
0xcb: {  	[hbm4b:s14+s0] =	stream.linear.scatter [tilespmem:s19], [sflag:$0x2], $0x4000, $0x38;
	[tilespmem:$0x19C00] =	vst v63  }
0xcc: {  	_ =	swait.ge [sflag:s12], $0x4000  }
0xcd: {  	[sflag:s12] =	ssyncset.done $0x0  }
0xce: {  	[sflag:s12] =	ssyncadd.s32 $0xFFFFC000  }
0xcf: {  	_ =	swait.ge [sflag:s12], $0x4000  }
0xd0: {  	[sflag:s12] =	ssyncset.done $0x0  }
0xd1: {  	[sflag:s12] =	ssyncadd.s32 $0xFFFFC000  }
0xd2: {  	_ =	swait.ge [sflag:s12], $0x4000  }
0xd3: {  	[sflag:s12] =	ssyncset.done $0x0  }
0xd4: {  	[sflag:s12] =	ssyncadd.s32 $0xFFFFC000  }
0xd5: {  	_ =	swait.ge [sflag:s12], $0x4000  }
0xd6: {  	s31 =	simm.s32 $0x400;
	[sflag:s12] =	ssyncset.done $0x0  }
0xd7: {  	s8 =	simm.s32 $0x8000;
	s23 =	rddreg [dreg:$0xe];
	[sflag:s12] =	ssyncadd.s32 $0xFFFFC000  }
0xd8: {  	[tilespmem:s0], [sflag:$0x3] =	stream.strided.gather [hbm4b:s23+s31], $0x1800, s8, s31, $0x38;
	[tilespmem:$0x19C00] =	vst v63  }
0xd9: {  	s5 =	sadd.s32 $0x6000, s23  }
0xda: {  	[tilespmem:s7], [sflag:$0x3] =	stream.linear.gather [hbm4b:s5+s0], $0x100, $0x38;
	[tilespmem:$0x19C00] =	vst v63  }
0xdb: {  	_ =	swait.ge [sflag:s16], $0x1900  }
0xdc: {  	[sflag:s16] =	ssyncset.done $0x0  }
0xdd: {  	[sflag:s16] =	ssyncadd.s32 $0xFFFFE700  }
0xde: {  	[tilespmem:s18], [sflag:$0x1] =	stream.indirect.gather [hbm4b:s2+s17], $0x80, s0, s17, $0xb8;
	[tilespmem:$0x19C00] =	vst v63  }
0xdf: {  	_ = 	snop  }
0xe0: {  	[tilespmem:s19], [sflag:$0x1] =	stream.indirect.gather [hbm4b:s2+s17], $0x80, s17, s17, $0xb8;
	[tilespmem:$0x19C00] =	vst v63  }
0xe1: {  	s8 =	simm.s32 $0x100  }
0xe2: {  	[tilespmem:s21], [sflag:$0x1] =	stream.indirect.gather [hbm4b:s2+s17], $0x80, s8, s17, $0xb8;
	[tilespmem:$0x19C00] =	vst v63  }
0xe3: {  	_ =	swait.ge [sflag:s22], $0x4000  }
0xe4: {  	[sflag:s22] =	ssyncset.done $0x0  }
0xe5: {  	s14 =	rddreg [dreg:$0x10];
	[sflag:s22] =	ssyncadd.s32 $0xFFFFC000  }
0xe6: {  	[hbm4b:s14+s0] =	stream.linear.scatter [tilespmem:s18], [sflag:$0x2], $0x4000, $0x38;
	[tilespmem:$0x19C00] =	vst v63  }
0xe7: {  	s23 =	simm.s32 $0x180  }
0xe8: {  	[tilespmem:s24], [sflag:$0x1] =	stream.indirect.gather [hbm4b:s2+s17], $0x80, s23, s17, $0xb8;
	[tilespmem:$0x19C00] =	vst v63  }
0xe9: {  	_ =	swait.ge [sflag:s22], $0x4000  }
0xea: {  	[sflag:s22] =	ssyncset.done $0x0  }
0xeb: {  	s8 =	rddreg [dreg:$0x11];
	[sflag:s22] =	ssyncadd.s32 $0xFFFFC000  }
0xec: {  	[hbm4b:s8+s0] =	stream.linear.scatter [tilespmem:s19], [sflag:$0x2], $0x4000, $0x38;
	[tilespmem:$0x19C00] =	vst v63  }
0xed: {  	s14 =	simm.s32 $0x200  }
0xee: {  	[tilespmem:s13], [sflag:$0x1] =	stream.indirect.gather [hbm4b:s2+s17], $0x80, s14, s17, $0xb8;
	[tilespmem:$0x19C00] =	vst v63  }
0xef: {  	_ =	swait.ge [sflag:s22], $0x4000  }
0xf0: {  	[sflag:s22] =	ssyncset.done $0x0  }
0xf1: {  	s23 =	rddreg [dreg:$0x12];
	[sflag:s22] =	ssyncadd.s32 $0xFFFFC000  }
0xf2: {  	[hbm4b:s23+s0] =	stream.linear.scatter [tilespmem:s21], [sflag:$0x2], $0x4000, $0x38;
	[tilespmem:$0x19C00] =	vst v63  }
0xf3: {  	s5 =	simm.s32 $0x280  }
0xf4: {  	[tilespmem:s20], [sflag:$0x1] =	stream.indirect.gather [hbm4b:s2+s17], $0x80, s5, s17, $0xb8;
	[tilespmem:$0x19C00] =	vst v63  }
0xf5: {  	_ =	swait.ge [sflag:s22], $0x4000  }
0xf6: {  	[sflag:s22] =	ssyncset.done $0x0  }
0xf7: {  	s30 =	rddreg [dreg:$0x1f];
	[sflag:s22] =	ssyncadd.s32 $0xFFFFC000  }
0xf8: {  	[hbm4b:s30+s6] =	stream.linear.scatter [tilespmem:s24], [sflag:$0x2], $0x4000, $0x38;
	[tilespmem:$0x19C00] =	vst v63  }
0xf9: {  	_ =	swait.ge [sflag:s12], $0x4000  }
0xfa: {  	[sflag:s12] =	ssyncset.done $0x0  }
0xfb: {  	s8 =	simm.s32 $0x300;
	[sflag:s12] =	ssyncadd.s32 $0xFFFFC000  }
0xfc: {  	[tilespmem:s18], [sflag:$0x1] =	stream.indirect.gather [hbm4b:s2+s17], $0x80, s8, s17, $0xb8;
	[tilespmem:$0x19C00] =	vst v63  }
0xfd: {  	_ =	swait.ge [sflag:s22], $0x4000  }
0xfe: {  	[sflag:s22] =	ssyncset.done $0x0  }
0xff: {  	s5 =	rddreg [dreg:$0x1d];
	[sflag:s22] =	ssyncadd.s32 $0xFFFFC000  }
0x100: {  	[hbm4b:s5+s6] =	stream.linear.scatter [tilespmem:s13], [sflag:$0x2], $0x4000, $0x38;
	[tilespmem:$0x19C00] =	vst v63  }
0x101: {  	_ =	swait.ge [sflag:s12], $0x4000  }
0x102: {  	[sflag:s12] =	ssyncset.done $0x0  }
0x103: {  	s14 =	simm.s32 $0x380;
	[sflag:s12] =	ssyncadd.s32 $0xFFFFC000  }
0x104: {  	[tilespmem:s19], [sflag:$0x1] =	stream.indirect.gather [hbm4b:s2+s17], $0x80, s14, s17, $0xb8;
	[tilespmem:$0x19C00] =	vst v63  }
0x105: {  	_ =	swait.ge [sflag:s22], $0x4000  }
0x106: {  	[sflag:s22] =	ssyncset.done $0x0  }
0x107: {  	s8 =	rddreg [dreg:$0x1b];
	[sflag:s22] =	ssyncadd.s32 $0xFFFFC000  }
0x108: {  	[hbm4b:s8+s6] =	stream.linear.scatter [tilespmem:s20], [sflag:$0x2], $0x4000, $0x38;
	[tilespmem:$0x19C00] =	vst v63  }
0x109: {  	_ =	swait.ge [sflag:s12], $0x4000  }
0x10a: {  	[sflag:s12] =	ssyncset.done $0x0  }
0x10b: {  	s23 =	simm.s32 $0x400;
	[sflag:s12] =	ssyncadd.s32 $0xFFFFC000  }
0x10c: {  	[tilespmem:s21], [sflag:$0x1] =	stream.indirect.gather [hbm4b:s2+s17], $0x80, s23, s17, $0xb8;
	[tilespmem:$0x19C00] =	vst v63  }
0x10d: {  	_ =	swait.ge [sflag:s22], $0x4000  }
0x10e: {  	[sflag:s22] =	ssyncset.done $0x0  }
0x10f: {  	s14 =	sadd.s32 s4, s15;
	[sflag:s22] =	ssyncadd.s32 $0xFFFFC000  }
0x110: {  	[hbm4b:s14+s6] =	stream.linear.scatter [tilespmem:s18], [sflag:$0x2], $0x4000, $0x38;
	[tilespmem:$0x19C00] =	vst v63  }
0x111: {  	_ =	swait.ge [sflag:s12], $0x4000  }
0x112: {  	[sflag:s12] =	ssyncset.done $0x0  }
0x113: {  	s15 =	simm.s32 $0x480;
	[sflag:s12] =	ssyncadd.s32 $0xFFFFC000  }
0x114: {  	[tilespmem:s24], [sflag:$0x1] =	stream.indirect.gather [hbm4b:s2+s17], $0x80, s15, s17, $0xb8;
	[tilespmem:$0x19C00] =	vst v63  }
0x115: {  	_ =	swait.ge [sflag:s22], $0x4000  }
0x116: {  	[sflag:s22] =	ssyncset.done $0x0  }
0x117: {  	[sflag:s22] =	ssyncadd.s32 $0xFFFFC000  }
0x118: {  	[hbm4b:s11+s6] =	stream.linear.scatter [tilespmem:s19], [sflag:$0x2], $0x4000, $0x38;
	[tilespmem:$0x19C00] =	vst v63  }
0x119: {  	_ =	swait.ge [sflag:s12], $0x4000  }
0x11a: {  	[sflag:s12] =	ssyncset.done $0x0  }
0x11b: {  	s23 =	simm.s32 $0x500;
	[sflag:s12] =	ssyncadd.s32 $0xFFFFC000  }
0x11c: {  	[tilespmem:s13], [sflag:$0x1] =	stream.indirect.gather [hbm4b:s2+s17], $0x80, s23, s17, $0xb8;
	[tilespmem:$0x19C00] =	vst v63  }
0x11d: {  	_ =	swait.ge [sflag:s22], $0x4000  }
0x11e: {  	[sflag:s22] =	ssyncset.done $0x0  }
0x11f: {  	s28 =	sadd.s32 $0x60000, s11;
	s30 =	sadd.s32 $0x60000, s30;
	[sflag:s22] =	ssyncadd.s32 $0xFFFFC000  }
0x120: {  	[hbm4b:s9+s6] =	stream.linear.scatter [tilespmem:s21], [sflag:$0x2], $0x4000, $0x38;
	[tilespmem:$0x19C00] =	vst v63  }
0x121: {  	s29 =	sadd.s32 $0x60000, s5;
	s5 =	simm.s32 $0x580;
	_ =	swait.ge [sflag:s12], $0x4000  }
0x122: {  	s0 =	sadd.s32 $0x60000, s8;
	s14 =	sadd.s32 $0x300000, s26;
	[sflag:s12] =	ssyncset.done $0x0  }
0x123: {  	s15 =	simm.s32 $0xC00;
	s23 =	sadd.s32 $0x60000, s9;
	[sflag:s12] =	ssyncadd.s32 $0xFFFFC000  }
.LBB2_4:
0x124: {  	[tilespmem:s20], [sflag:$0x1] =	stream.indirect.gather [hbm4b:s2+s17], $0x80, s5, s17, $0xb8;
	[tilespmem:$0x19C00] =	vst v63  }
0x125: {  	s5 =	smov.u32 s15  }
0x126: {  	p0 =	sne.s32 s15, $0x4800;
	s15 =	sadd.s32 $0xC00, s15;
	_ =	swait.ge [sflag:s22], $0x4000  }
0x127: {  	[sflag:s22] =	ssyncset.done $0x0  }
0x128: {  	[sflag:s22] =	ssyncadd.s32 $0xFFFFC000  }
0x129: {  	[hbm4b:s30+s6] =	stream.linear.scatter [tilespmem:s24], [sflag:$0x2], $0x4000, $0x38;
	[tilespmem:$0x19C00] =	vst v63  }
0x12a: {  	_ =	swait.ge [sflag:s12], $0x4000  }
0x12b: {  	s5 =	sshra.s32 s5, $0x2;
	[sflag:s12] =	ssyncset.done $0x0  }
0x12c: {  	s8 =	sadd.s32 $0x300, s5;
	[sflag:s12] =	ssyncadd.s32 $0xFFFFC000  }
0x12d: {  	[tilespmem:s18], [sflag:$0x1] =	stream.indirect.gather [hbm4b:s2+s17], $0x80, s8, s17, $0xb8;
	[tilespmem:$0x19C00] =	vst v63  }
0x12e: {  	_ =	swait.ge [sflag:s22], $0x4000  }
0x12f: {  	[sflag:s22] =	ssyncset.done $0x0  }
0x130: {  	[sflag:s22] =	ssyncadd.s32 $0xFFFFC000  }
0x131: {  	[hbm4b:s29+s6] =	stream.linear.scatter [tilespmem:s13], [sflag:$0x2], $0x4000, $0x38;
	[tilespmem:$0x19C00] =	vst v63  }
0x132: {  	_ =	swait.ge [sflag:s12], $0x4000  }
0x133: {  	[sflag:s12] =	ssyncset.done $0x0  }
0x134: {  	s8 =	sadd.s32 $0x380, s5;
	[sflag:s12] =	ssyncadd.s32 $0xFFFFC000  }
0x135: {  	[tilespmem:s19], [sflag:$0x1] =	stream.indirect.gather [hbm4b:s2+s17], $0x80, s8, s17, $0xb8;
	[tilespmem:$0x19C00] =	vst v63  }
0x136: {  	_ =	swait.ge [sflag:s22], $0x4000  }
0x137: {  	[sflag:s22] =	ssyncset.done $0x0  }
0x138: {  	[sflag:s22] =	ssyncadd.s32 $0xFFFFC000  }
0x139: {  	[hbm4b:s0+s6] =	stream.linear.scatter [tilespmem:s20], [sflag:$0x2], $0x4000, $0x38;
	[tilespmem:$0x19C00] =	vst v63  }
0x13a: {  	_ =	swait.ge [sflag:s12], $0x4000  }
0x13b: {  	[sflag:s12] =	ssyncset.done $0x0  }
0x13c: {  	s8 =	sadd.s32 $0x400, s5;
	[sflag:s12] =	ssyncadd.s32 $0xFFFFC000  }
0x13d: {  	[tilespmem:s21], [sflag:$0x1] =	stream.indirect.gather [hbm4b:s2+s17], $0x80, s8, s17, $0xb8;
	[tilespmem:$0x19C00] =	vst v63  }
0x13e: {  	_ =	swait.ge [sflag:s22], $0x4000  }
0x13f: {  	s8 =	sshrl.u32 s14, $0x3;
	[sflag:s22] =	ssyncset.done $0x0  }
0x140: {  	s8 =	sadd.s32 s4, s8;
	[sflag:s22] =	ssyncadd.s32 $0xFFFFC000  }
0x141: {  	[hbm4b:s8+s6] =	stream.linear.scatter [tilespmem:s18], [sflag:$0x2], $0x4000, $0x38;
	[tilespmem:$0x19C00] =	vst v63  }
0x142: {  	_ =	swait.ge [sflag:s12], $0x4000  }
0x143: {  	[sflag:s12] =	ssyncset.done $0x0  }
0x144: {  	s8 =	sadd.s32 $0x480, s5;
	[sflag:s12] =	ssyncadd.s32 $0xFFFFC000  }
0x145: {  	[tilespmem:s24], [sflag:$0x1] =	stream.indirect.gather [hbm4b:s2+s17], $0x80, s8, s17, $0xb8;
	[tilespmem:$0x19C00] =	vst v63  }
0x146: {  	_ =	swait.ge [sflag:s22], $0x4000  }
0x147: {  	[sflag:s22] =	ssyncset.done $0x0  }
0x148: {  	[sflag:s22] =	ssyncadd.s32 $0xFFFFC000  }
0x149: {  	[hbm4b:s28+s6] =	stream.linear.scatter [tilespmem:s19], [sflag:$0x2], $0x4000, $0x38;
	[tilespmem:$0x19C00] =	vst v63  }
0x14a: {  	_ =	swait.ge [sflag:s12], $0x4000  }
0x14b: {  	[sflag:s12] =	ssyncset.done $0x0  }
0x14c: {  	s8 =	sadd.s32 $0x500, s5;
	[sflag:s12] =	ssyncadd.s32 $0xFFFFC000  }
0x14d: {  	[tilespmem:s13], [sflag:$0x1] =	stream.indirect.gather [hbm4b:s2+s17], $0x80, s8, s17, $0xb8;
	[tilespmem:$0x19C00] =	vst v63  }
0x14e: {  	_ =	swait.ge [sflag:s22], $0x4000  }
0x14f: {  	[sflag:s22] =	ssyncset.done $0x0  }
.Ltmp1:
0x150: {  	s14 =	sadd.s32 $0x300000, s14;
	[sflag:s22] =	ssyncadd.s32 $0xFFFFC000;
	(pc) =	sbr.rel @p0 .LBB2_4-.Ltmp1, $4  }
0x151: {  	[hbm4b:s23+s6] =	stream.linear.scatter [tilespmem:s21], [sflag:$0x2], $0x4000, $0x38;
	[tilespmem:$0x19C00] =	vst v63  }
0x152: {  	s28 =	sadd.s32 $0x60000, s28;
	s23 =	sadd.s32 $0x60000, s23;
	_ =	swait.ge [sflag:s12], $0x4000  }
0x153: {  	s30 =	sadd.s32 $0x60000, s30;
	s29 =	sadd.s32 $0x60000, s29;
	[sflag:s12] =	ssyncset.done $0x0  }
0x154: {  	s0 =	sadd.s32 $0x60000, s0;
	s5 =	sadd.s32 $0x580, s5;
	[sflag:s12] =	ssyncadd.s32 $0xFFFFC000  }
0x155: {  	[tilespmem:s20], [sflag:$0x1] =	stream.indirect.gather [hbm4b:s2+s17], $0x80, s5, s17, $0xb8;
	[tilespmem:$0x19C00] =	vst v63  }
0x156: {  	_ =	swait.ge [sflag:s22], $0x4000  }
0x157: {  	[sflag:s22] =	ssyncset.done $0x0  }
0x158: {  	s0 =	rddreg [dreg:$0x13];
	[sflag:s22] =	ssyncadd.s32 $0xFFFFC000  }
0x159: {  	[hbm4b:s0+s6] =	stream.linear.scatter [tilespmem:s24], [sflag:$0x2], $0x4000, $0x38;
	[tilespmem:$0x19C00] =	vst v63  }
0x15a: {  	_ =	swait.ge [sflag:s12], $0x4000  }
0x15b: {  	[sflag:s12] =	ssyncset.done $0x0  }
0x15c: {  	[sflag:s12] =	ssyncadd.s32 $0xFFFFC000  }
0x15d: {  	[tilespmem:s18], [sflag:$0x1] =	stream.indirect.gather [hbm4b:s2+s17], $0x80, s7, s17, $0xb8;
	[tilespmem:$0x19C00] =	vst v63  }
0x15e: {  	_ =	swait.ge [sflag:s22], $0x4000  }
0x15f: {  	[sflag:s22] =	ssyncset.done $0x0  }
0x160: {  	s14 =	rddreg [dreg:$0x14];
	[sflag:s22] =	ssyncadd.s32 $0xFFFFC000  }
0x161: {  	[hbm4b:s14+s6] =	stream.linear.scatter [tilespmem:s13], [sflag:$0x2], $0x4000, $0x38;
	[tilespmem:$0x19C00] =	vst v63  }
0x162: {  	_ =	swait.ge [sflag:s12], $0x4000  }
0x163: {  	[sflag:s12] =	ssyncset.done $0x0  }
0x164: {  	s15 =	simm.s32 $0x1880;
	[sflag:s12] =	ssyncadd.s32 $0xFFFFC000  }
0x165: {  	[tilespmem:s19], [sflag:$0x1] =	stream.indirect.gather [hbm4b:s2+s17], $0x80, s15, s17, $0xb8;
	[tilespmem:$0x19C00] =	vst v63  }
0x166: {  	_ =	swait.ge [sflag:s22], $0x4000  }
0x167: {  	[sflag:s22] =	ssyncset.done $0x0  }
0x168: {  	s23 =	rddreg [dreg:$0x15];
	[sflag:s22] =	ssyncadd.s32 $0xFFFFC000  }
0x169: {  	[hbm4b:s23+s6] =	stream.linear.scatter [tilespmem:s20], [sflag:$0x2], $0x4000, $0x38;
	[tilespmem:$0x19C00] =	vst v63  }
0x16a: {  	_ =	swait.ge [sflag:s12], $0x4000  }
0x16b: {  	[sflag:s12] =	ssyncset.done $0x0  }
0x16c: {  	[sflag:s12] =	ssyncadd.s32 $0xFFFFC000  }
0x16d: {  	_ =	swait.ge [sflag:s22], $0x4000  }
0x16e: {  	[sflag:s22] =	ssyncset.done $0x0  }
0x16f: {  	s28 =	rddreg [dreg:$0x16];
	[sflag:s22] =	ssyncadd.s32 $0xFFFFC000  }
0x170: {  	[hbm4b:s28+s6] =	stream.linear.scatter [tilespmem:s18], [sflag:$0x2], $0x4000, $0x38;
	[tilespmem:$0x19C00] =	vst v63  }
0x171: {  	_ =	swait.ge [sflag:s12], $0x4000  }
0x172: {  	[sflag:s12] =	ssyncset.done $0x0  }
0x173: {  	[sflag:s12] =	ssyncadd.s32 $0xFFFFC000  }
0x174: {  	_ =	swait.ge [sflag:s22], $0x4000  }
0x175: {  	[sflag:s22] =	ssyncset.done $0x0  }
0x176: {  	s29 =	rddreg [dreg:$0x18];
	[sflag:s22] =	ssyncadd.s32 $0xFFFFC000  }
0x177: {  	[hbm4b:s29+s6] =	stream.linear.scatter [tilespmem:s19], [sflag:$0x2], $0x4000, $0x38;
	[tilespmem:$0x19C00] =	vst v63  }
0x178: {  	_ =	swait.ge [sflag:s12], $0x4000  }
0x179: {  	[sflag:s12] =	ssyncset.done $0x0  }
0x17a: {  	[sflag:s12] =	ssyncadd.s32 $0xFFFFC000  }
0x17b: {  	_ =	swait.ge [sflag:s12], $0x4000  }
0x17c: {  	[sflag:s12] =	ssyncset.done $0x0  }
0x17d: {  	[sflag:s12] =	ssyncadd.s32 $0xFFFFC000  }
0x17e: {  	_ =	swait.ge [sflag:s12], $0x4000  }
0x17f: {  	[sflag:s12] =	ssyncset.done $0x0  }
0x180: {  	[sflag:s12] =	ssyncadd.s32 $0xFFFFC000  }
0x181: {  	_ =	swait.ge [sflag:s12], $0x4000  }
0x182: {  	s25 =	sadd.s32 $0x1, s25;
	s30 =	rddreg [dreg:$0x19]  }
0x183: {  	p0 =	sne.s32 s25, s30  }
.Ltmp2:
0x184: {  	_ = 	snop;
	(pc) =	sbr.rel @p0 .LBB2_1-.Ltmp2, $3  }
0x185: {  	_ =	sdelay $0x1  }
0x186: {  	[sflag:s12] =	ssyncset.done $0x0  }
0x187: {  	[sflag:s12] =	ssyncadd.s32 $0xFFFFC000  }
0x188: {  	_ =	sfence.sel $0x180000  }
0x189: {  	[bflag:$0x0] =	sbarrier.arrive $0xFFFF  }
0x18a: {  	_ =	strace $0x90000047  }
0x18b: {  	s0 =	stileid.u32;
	[bflag:$0x2] =	sbarrier.arrive $0xFFFF  }
0x18c: {  	p0 =	sne.s32 s0, $0x0;
	s0 =	rddreg [dreg:$0x6]  }
0x18d: {  	s0 =	sadd.s32 @!p0 $0x100000, s0  }
0x18e: {  	[sflag:s0] =	ssyncadd.tile.s32 @!p0 $0x1;
	_ =	shalt  }
.Lfunc_end2:
_tile_overlayer_lowered:
.L_overlay_start_2:
0x18f: {  	(tag) =	ssettag $0x2  }
0x190: {  	s0 =	rddreg [dreg:$0x0];
	s2 =	stileid.u32  }
0x191: {  	s1 =	rddreg [dreg:$0x1];
	p0 =	sne.s32 s2, $0x0  }
0x192: {  	s3 =	rddreg [dreg:$0x2];
	[bflag:$0x3] =	sbarrier.arrive $0xFFFF;
	s2 =	simm.s32 @!p0 $0x1C03  }
0x193: {  	[timem:s3], [sflag:s2] =	dma.local @!p0 [hbm:s0], s1  }
0x194: {  	s0 =	simm.s32 @!p0 $0x3  }
0x195: {  	_ =	swait.ge @!p0 [sflag:s0], s1  }
0x196: {  	s1 =	ssub.s32 @!p0 $0x0, s1;
	[sflag:s0] =	ssyncset.done @!p0 $0x0  }
0x197: {  	[sflag:s0] =	ssyncadd.s32 @!p0 s1  }
0x198: {  	[bflag:$0x3] =	sbarrier.arrive $0xFFFF  }
0x199: {  	_ =	shalt  }

</sc_bundles>
